<compile_context>
chip_gen: v7x
topology: tpu7x:2x2x1
jax: 0.10.2.dev20260603
libtpu: 0.0.44.dev20260713+nightly
codegen_flags: <defaults>
</compile_context>

<pallas_src>
import functools

import jax
import jax.numpy as jnp
import numpy as np
from jax import lax
from jax.experimental import pallas as pl
from jax.experimental.pallas import tpu as pltpu
from jax.experimental.pallas import tpu_sc as plsc

_GRID = 32
_D = 96
_N_S = _GRID * _GRID
_ND = _N_S // 2
_NSRC = _N_S // 2
_KEEP_RATE = 0.7
_ALPHA = 0.7
_R = int(_N_S * (1.0 - _KEEP_RATE))
_NUNM = _NSRC - _R
_NPAD = 256
_NOUT = 1 + _ND + _NUNM
_HI = lax.Precision.HIGHEST
_BS = 2
_NW = 32


def _build_low_basis():
    h = w = _GRID
    y, x = np.meshgrid(np.arange(h), np.arange(w), indexing="ij")
    cols = [np.full((h, w), 1.0 / np.sqrt(h * w))]
    for dy, dx in [(0, 1), (0, 2), (1, 0), (2, 0), (1, 1), (1, -1)]:
        ph = 2.0 * np.pi * (dy * y + dx * x) / h
        cols.append(np.sqrt(2.0 / (h * w)) * np.cos(ph))
        cols.append(np.sqrt(2.0 / (h * w)) * np.sin(ph))
    u = np.stack([c.reshape(-1) for c in cols], axis=1)
    u = np.concatenate([u, np.zeros((h * w, 3))], axis=1)
    return u.astype(np.float32)


_U = _build_low_basis()
_UD = np.ascontiguousarray(_U[0::2])
_US = np.ascontiguousarray(_U[1::2])


def _dot(a, b, ca, cb, precision=_HI):
    return lax.dot_general(a, b, (((ca,), (cb,)), ((), ())),
                           preferred_element_type=jnp.float32,
                           precision=precision)


def _one_sample(cls_row, xd, xs, ud, us, bglob):

    coef = _dot(ud, xd, 0, 0) + _dot(us, xs, 0, 0)
    hfd = xd - _dot(ud, coef, 1, 0)
    hfs = xs - _dot(us, coef, 1, 0)
    ed = jnp.sqrt(jnp.sum(hfd * hfd, axis=1, keepdims=True))
    es = jnp.sqrt(jnp.sum(hfs * hfs, axis=1, keepdims=True))
    pmin = jnp.minimum(jnp.min(ed), jnp.min(es))
    pmax = jnp.maximum(jnp.max(ed), jnp.max(es))
    inv = 1.0 / (pmax - pmin + 1e-6)
    phid_c = (ed - pmin) * inv
    phis_c = (es - pmin) * inv
    phid_r = phid_c.T

    nd = xd / jnp.maximum(jnp.sqrt(jnp.sum(xd * xd, axis=1, keepdims=True)),
                          1e-12)
    ns = xs / jnp.maximum(jnp.sqrt(jnp.sum(xs * xs, axis=1, keepdims=True)),
                          1e-12)
    nt = 4
    ts = _NSRC // nt
    jcol_t = lax.broadcasted_iota(jnp.int32, (ts, _ND), 1)
    nm_parts, idx_parts = [], []
    for t in range(nt):
        sl = slice(t * ts, (t + 1) * ts)
        sim_t = _dot(ns[sl], nd, 1, 1, precision=None)
        adj_t = sim_t * (1.0 - _ALPHA * jnp.maximum(phis_c[sl], phid_r))
        nm_t = jnp.max(adj_t, axis=1, keepdims=True)
        idx_t = jnp.min(jnp.where(adj_t == nm_t, jcol_t, _ND), axis=1,
                        keepdims=True)
        nm_parts.append(nm_t)
        idx_parts.append(idx_t)
    nm_c = jnp.concatenate(nm_parts, axis=0)
    idx_c = jnp.concatenate(idx_parts, axis=0)
    nm_r = nm_c.T

    irow_t = lax.broadcasted_iota(jnp.int32, (_NSRC, ts), 0)
    jcol_s = lax.broadcasted_iota(jnp.int32, (_NSRC, ts), 1)
    rank = jnp.zeros((_NSRC, 1), jnp.float32)
    for t in range(nt):
        sl = slice(t * ts, (t + 1) * ts)
        vj = nm_r[:, sl]
        better = (vj > nm_c) | ((vj == nm_c) & ((t * ts + jcol_s) < irow_t))
        rank = rank + jnp.sum(better.astype(jnp.float32), axis=1,
                              keepdims=True)
    mf_c = (rank < (_R - 0.5)).astype(jnp.float32)
    mf_r = mf_c.T
    keep_r = 1.0 - mf_r

    addv = jnp.zeros((_ND, _D), jnp.float32)
    cnt_r = jnp.zeros((1, _ND), jnp.float32)
    for t in range(nt):
        sl = slice(t * ts, (t + 1) * ts)
        sel_t = jnp.where(idx_c[sl] == jcol_t, mf_c[sl], 0.0)
        addv = addv + _dot(sel_t, xs[sl], 0, 0)
        cnt_r = cnt_r + jnp.sum(sel_t, axis=0, keepdims=True)
    dst_out = (xd + addv) / (1.0 + cnt_r.T)

    pos_c = jnp.zeros((_NSRC, 1), jnp.float32)
    for t in range(nt):
        sl = slice(t * ts, (t + 1) * ts)
        contrib = jnp.where((t * ts + jcol_s) < irow_t, keep_r[:, sl], 0.0)
        pos_c = pos_c + jnp.sum(contrib, axis=1, keepdims=True)
    posi_r = pos_c.astype(jnp.int32).T
    ival_c = lax.broadcasted_iota(jnp.int32, (_NSRC, 1), 0).astype(jnp.float32)
    g = jnp.zeros((_NPAD, 1), jnp.float32)
    prow_t = lax.broadcasted_iota(jnp.int32, (_NPAD, ts), 0)
    for t in range(nt):
        sl = slice(t * ts, (t + 1) * ts)
        gat_t = jnp.where((prow_t == posi_r[:, sl]) & (keep_r[:, sl] > 0.5),
                          1.0, 0.0)
        g = g + _dot(gat_t, ival_c[sl], 1, 0)
    gidx = g.astype(jnp.int32) + bglob * _NSRC

    return jnp.concatenate([cls_row, dst_out], axis=0), gidx


def _body(cls_ref, xd_ref, xs_ref, ud_ref, us_ref, out_ref, gl_ref):
    ud = ud_ref[...]
    us = us_ref[...]
    for s in range(_BS):
        bglob = pl.program_id(0) * _BS + s
        rows, gidx = _one_sample(cls_ref[s], xd_ref[s], xs_ref[s], ud, us,
                                 bglob)
        out_ref[s] = rows
        gl_ref[s] = gidx


def _tc_stage(cls_tok, xd, xs):
    b = xd.shape[0]
    return pl.pallas_call(
        _body,
        grid=(b // _BS,),
        in_specs=[
            pl.BlockSpec((_BS, 1, _D), lambda i: (i, 0, 0)),
            pl.BlockSpec((_BS, _ND, _D), lambda i: (i, 0, 0)),
            pl.BlockSpec((_BS, _NSRC, _D), lambda i: (i, 0, 0)),
            pl.BlockSpec((_ND, 16), lambda i: (0, 0)),
            pl.BlockSpec((_NSRC, 16), lambda i: (0, 0)),
        ],
        out_specs=[
            pl.BlockSpec((_BS, 1 + _ND, _D), lambda i: (i, 0, 0)),
            pl.BlockSpec((_BS, _NPAD, 1), lambda i: (i, 0, 0)),
        ],
        out_shape=[
            jax.ShapeDtypeStruct((b, 1 + _ND, _D), jnp.float32),
            jax.ShapeDtypeStruct((b, _NPAD, 1), jnp.int32),
        ],
    )(cls_tok, xd, xs, _UD, _US)


def _sc_compact(xs_flat, glist):
    b = glist.shape[0]
    spw = b // _NW
    mesh = plsc.VectorSubcoreMesh(core_axis_name="c", subcore_axis_name="s")

    @functools.partial(
        pl.kernel, mesh=mesh,
        compiler_params=pltpu.CompilerParams(use_tc_tiling_on_sc=False),
        out_type=jax.ShapeDtypeStruct((b, _NPAD, _D), jnp.float32),
        scratch_types=[
            pltpu.VMEM((2, 128), jnp.int32),
            pltpu.VMEM((_NPAD, _D), jnp.float32),
            pltpu.SemaphoreType.DMA,
        ],
    )
    def k(xs_hbm, gl_hbm, out_hbm, idx_v, rows_v, sem):
        wid = lax.axis_index("s") * 2 + lax.axis_index("c")
        for t in range(spw):
            sb = wid * spw + t
            pltpu.sync_copy(gl_hbm.at[sb], idx_v)
            pltpu.async_copy(xs_hbm.at[idx_v.at[0]],
                             rows_v.at[pl.ds(0, 128)], sem).wait()
            pltpu.async_copy(xs_hbm.at[idx_v.at[1]],
                             rows_v.at[pl.ds(128, 128)], sem).wait()
            pltpu.sync_copy(rows_v, out_hbm.at[sb])

    return k(xs_flat, glist)


@functools.partial(jax.jit, static_argnums=())
def kernel(tokens):
    b = tokens.shape[0]
    cls_tok = tokens[:, :1]
    t3 = tokens[:, 1:].reshape(b, _ND, 2, _D)
    xd = t3[:, :, 0]
    xs = t3[:, :, 1]
    out1, glist = _tc_stage(cls_tok, xd, xs)
    unm = _sc_compact(xs.reshape(b * _NSRC, _D),
                      glist.reshape(b, 2, 128))
    return jnp.concatenate([out1, unm[:, :_NUNM]], axis=1)

# --- scband reference (transcript-rebuilt; emitter-appended) ---
"""Pipeline reference for scband-freq-merge-block-55413668053664 (READ-ONLY COPY).

The authoritative reference and input builder live on the scoring server;
editing this copy changes nothing except your own understanding.
"""

import jax, jax.numpy as jnp
import numpy as np

B = 128
GRID_H = 32
GRID_W = 32
D = 96
KEEP_RATE = 0.7
ALPHA = 0.7
HPF_RADIUS = 2
N_S = GRID_H * GRID_W


def setup_inputs(seed: int = 0) -> dict:
    key = jax.random.key(seed)
    tokens = jax.random.normal(key, (B, 1 + N_S, D), dtype=jnp.float32)
    return {"tokens": tokens}


def _lfgm(spatial):
    # Low/High-Frequency Guidance Module: per-token high-frequency energy score in [0, 1].
    Bq, N, Dq = spatial.shape
    x = spatial.reshape(Bq, GRID_H, GRID_W, Dq)
    Xf = jnp.fft.fft2(x, axes=(1, 2))
    Xf = jnp.fft.fftshift(Xf, axes=(1, 2))
    cy, cx = GRID_H // 2, GRID_W // 2
    yy, xx = jnp.meshgrid(jnp.arange(GRID_H), jnp.arange(GRID_W), indexing='ij')
    dist = jnp.sqrt((yy - cy).astype(jnp.float32) ** 2 + (xx - cx).astype(jnp.float32) ** 2)
    mask = (dist > HPF_RADIUS).astype(jnp.float32)
    Xf = Xf * mask[None, :, :, None]
    Xf = jnp.fft.ifftshift(Xf, axes=(1, 2))
    hf = jnp.fft.ifft2(Xf, axes=(1, 2)).real
    energy = jnp.linalg.norm(hf, axis=-1)  # (B, H, W)
    phi = energy.reshape(Bq, N)
    pmin = phi.min(axis=1, keepdims=True)
    pmax = phi.max(axis=1, keepdims=True)
    phi = (phi - pmin) / (pmax - pmin + 1e-6)
    return phi


def _normalize(x):
    return x / jnp.maximum(jnp.linalg.norm(x, axis=-1, keepdims=True), 1e-12)


def _bipartite_soft_matching(tokens, scores, r):
    Bq, N, Dq = tokens.shape
    dst = tokens[:, ::2, :]
    src = tokens[:, 1::2, :]
    N_src = src.shape[1]
    N_dst = dst.shape[1]
    r = min(r, N_src)
    if r <= 0:
        return tokens
    node_max = scores.max(axis=-1)
    node_idx = jnp.argmax(scores, axis=-1)
    _, edge_idx = jax.lax.top_k(node_max, r)
    dst_idx = jnp.take_along_axis(node_idx, edge_idx, axis=1)
    src_to_merge = jnp.take_along_axis(src, edge_idx[:, :, None], axis=1)
    bidx = jnp.arange(Bq)[:, None]
    dst_out = dst.at[bidx, dst_idx].add(src_to_merge)
    count = jnp.ones((Bq, N_dst), dtype=tokens.dtype).at[bidx, dst_idx].add(1.0)
    dst_out = dst_out / count[:, :, None]
    keep = jnp.ones((Bq, N_src), dtype=bool).at[bidx, edge_idx].set(False)
    order = jnp.argsort(jnp.logical_not(keep).astype(jnp.int32), axis=1, stable=True)
    keep_idx = order[:, :N_src - r]
    unmerged = jnp.take_along_axis(src, keep_idx[:, :, None], axis=1)
    return jnp.concatenate([dst_out, unmerged], axis=1)


def reference(tokens):
    cls_token = tokens[:, :1, :]
    spatial = tokens[:, 1:, :]
    N_s = spatial.shape[1]
    r = int(N_s * (1.0 - KEEP_RATE))
    if r <= 0:
        return tokens
    phi = _lfgm(spatial)
    spatial_norm = _normalize(spatial)
    dst_norm = spatial_norm[:, ::2, :]
    src_norm = spatial_norm[:, 1::2, :]
    cos_sim = jnp.einsum('bid,bjd->bij', src_norm, dst_norm)
    phi_src = phi[:, 1::2]
    phi_dst = phi[:, ::2]
    phi_max = jnp.maximum(phi_src[:, :, None], phi_dst[:, None, :])
    freq_penalty = 1.0 - ALPHA * phi_max
    adjusted_sim = cos_sim * freq_penalty
    spatial_reduced = _bipartite_soft_matching(spatial, adjusted_sim, r)
    return jnp.concatenate([cls_token, spatial_reduced], axis=1)

if __name__ == "__main__":
    import jax
    _d = setup_inputs()
    print(jax.jit(kernel)(*tuple(_d.values())))

</pallas_src>

<mosaic_0001>
#map = affine_map<(d0, d1) -> (0, 0)>
#map1 = affine_map<(d0, d1) -> (0, 0, 0)>
module attributes {stable_mosaic.version = 14 : i64} {
  func.func @k(%arg0: i32, %arg1: i32, %arg2: memref<65536x96xf32, #tpu.memory_space<hbm>>, %arg3: memref<128x2x128xi32, #tpu.memory_space<hbm>>, %arg4: memref<128x256x96xf32, #tpu.memory_space<hbm>>, %arg5: memref<2x128xi32, #tpu.memory_space<vmem>>, %arg6: memref<256x96xf32, #tpu.memory_space<vmem>>, %arg7: memref<!tpu.dma_semaphore, #tpu.memory_space<semaphore_mem>>) attributes {dimension_semantics = [#tpu.dimension_semantics<core_parallel>, #tpu.dimension_semantics<subcore_parallel>], iteration_bounds = array<i64: 2, 16>, scalar_prefetch = 0 : i64, scratch_operands = 3 : i64, tpu.core_type = #tpu.core_type<sc_vector_subcore>, window_params = [{transform_indices = #map}, {transform_indices = #map1}, {transform_indices = #map1}]} {
    %mul3A = arith.constant 2 : i32
    %mul3A_0 = arith.muli %arg1, %mul3A : i32
    %add3A = arith.addi %mul3A_0, %arg0 : i32
    %mul3A_1 = arith.constant 4 : i32
    %mul3A_2 = arith.muli %add3A, %mul3A_1 : i32
    %add3A_3 = arith.constant 0 : i32
    %add3A_4 = arith.addi %mul3A_2, %add3A_3 : i32
    "tpu.region"() ({
      %run_scoped3A = tpu.sem_alloc : memref<!tpu.dma_semaphore, #tpu.memory_space<semaphore_mem>>
      %dma_start3A_175 = arith.constant 0 : i32
      %dma_start3A_176 = arith.constant 0 : i32
      %dma_start3A_177 = tpu.memref_slice %arg3[%add3A_4, %dma_start3A_175, %dma_start3A_176] : memref<128x2x128xi32, #tpu.memory_space<hbm>> -> memref<1x2x128xi32, #tpu.memory_space<hbm>>
      %dma_start3A_178 = tpu.memref_squeeze %dma_start3A_177 : memref<1x2x128xi32, #tpu.memory_space<hbm>> -> memref<2x128xi32, #tpu.memory_space<hbm>>
      %dma_start3A_179 = arith.constant 0 : i32
      %dma_start3A_180 = arith.constant 0 : i32
      %dma_start3A_181 = tpu.memref_slice %arg3[%add3A_4, %dma_start3A_179, %dma_start3A_180] : memref<128x2x128xi32, #tpu.memory_space<hbm>> -> memref<1x2x128xi32, #tpu.memory_space<hbm>>
      %dma_start3A_182 = tpu.memref_squeeze %dma_start3A_181 : memref<1x2x128xi32, #tpu.memory_space<hbm>> -> memref<2x128xi32, #tpu.memory_space<hbm>>
      tpu.enqueue_dma source(%dma_start3A_182 : memref<2x128xi32, #tpu.memory_space<hbm>>) target(%arg5 : memref<2x128xi32, #tpu.memory_space<vmem>>) target_semaphore(%run_scoped3A : memref<!tpu.dma_semaphore, #tpu.memory_space<semaphore_mem>>)
      %dma_wait3A_183 = arith.constant 0 : i32
      %dma_wait3A_184 = arith.constant 0 : i32
      %dma_wait3A_185 = tpu.memref_slice %arg3[%add3A_4, %dma_wait3A_183, %dma_wait3A_184] : memref<128x2x128xi32, #tpu.memory_space<hbm>> -> memref<1x2x128xi32, #tpu.memory_space<hbm>>
      %dma_wait3A_186 = tpu.memref_squeeze %dma_wait3A_185 : memref<1x2x128xi32, #tpu.memory_space<hbm>> -> memref<2x128xi32, #tpu.memory_space<hbm>>
      %dma_wait3A_187 = arith.constant 0 : i32
      %dma_wait3A_188 = arith.constant 0 : i32
      %dma_wait3A_189 = tpu.memref_slice %arg3[%add3A_4, %dma_wait3A_187, %dma_wait3A_188] : memref<128x2x128xi32, #tpu.memory_space<hbm>> -> memref<1x2x128xi32, #tpu.memory_space<hbm>>
      %dma_wait3A_190 = tpu.memref_squeeze %dma_wait3A_189 : memref<1x2x128xi32, #tpu.memory_space<hbm>> -> memref<2x128xi32, #tpu.memory_space<hbm>>
      tpu.wait_dma2 semaphore(%run_scoped3A : memref<!tpu.dma_semaphore, #tpu.memory_space<semaphore_mem>>) src(%dma_wait3A_190 : memref<2x128xi32, #tpu.memory_space<hbm>>) dst(%arg5 : memref<2x128xi32, #tpu.memory_space<vmem>>)
      tpu.yield
    }) : () -> ()
    %dma_start3A = arith.constant 0 : i32
    %dma_start3A_5 = arith.constant 0 : i32
    %dma_start3A_6 = arith.constant 0 : i32
    %dma_start3A_7 = tpu.memref_slice %arg6[%dma_start3A_5, %dma_start3A_6] : memref<256x96xf32, #tpu.memory_space<vmem>> -> memref<128x96xf32, #tpu.memory_space<vmem>>
    %dma_start3A_8 = arith.constant 0 : i32
    %dma_start3A_9 = tpu.memref_slice %arg5[%dma_start3A, %dma_start3A_8] : memref<2x128xi32, #tpu.memory_space<vmem>> -> memref<1x128xi32, #tpu.memory_space<vmem>>
    %dma_start3A_10 = tpu.memref_squeeze %dma_start3A_9 : memref<1x128xi32, #tpu.memory_space<vmem>> -> memref<128xi32, #tpu.memory_space<vmem>>
    %dma_start3A_11 = arith.constant 0 : i32
    %dma_start3A_12 = arith.constant 0 : i32
    %dma_start3A_13 = tpu.memref_slice %arg2[%dma_start3A_11, %dma_start3A_12] : memref<65536x96xf32, #tpu.memory_space<hbm>> -> memref<65536x96xf32, #tpu.memory_space<hbm>>
    tpu.enqueue_indirect_dma source(%dma_start3A_13 : memref<65536x96xf32, #tpu.memory_space<hbm>>) target(%dma_start3A_7 : memref<128x96xf32, #tpu.memory_space<vmem>>) offsets(%dma_start3A_10 : memref<128xi32, #tpu.memory_space<vmem>>) semaphore(%arg7 : memref<!tpu.dma_semaphore, #tpu.memory_space<semaphore_mem>>)
    %dma_wait3A = arith.constant 0 : i32
    %dma_wait3A_14 = arith.constant 0 : i32
    %dma_wait3A_15 = arith.constant 0 : i32
    %dma_wait3A_16 = tpu.memref_slice %arg6[%dma_wait3A_14, %dma_wait3A_15] : memref<256x96xf32, #tpu.memory_space<vmem>> -> memref<128x96xf32, #tpu.memory_space<vmem>>
    %dma_wait3A_17 = arith.constant 0 : i32
    %dma_wait3A_18 = tpu.memref_slice %arg5[%dma_wait3A, %dma_wait3A_17] : memref<2x128xi32, #tpu.memory_space<vmem>> -> memref<1x128xi32, #tpu.memory_space<vmem>>
    %dma_wait3A_19 = tpu.memref_squeeze %dma_wait3A_18 : memref<1x128xi32, #tpu.memory_space<vmem>> -> memref<128xi32, #tpu.memory_space<vmem>>
    %dma_wait3A_20 = arith.constant 0 : i32
    %dma_wait3A_21 = arith.constant 0 : i32
    %dma_wait3A_22 = tpu.memref_slice %arg2[%dma_wait3A_20, %dma_wait3A_21] : memref<65536x96xf32, #tpu.memory_space<hbm>> -> memref<65536x96xf32, #tpu.memory_space<hbm>>
    tpu.wait_indirect_dma semaphore(%arg7 : memref<!tpu.dma_semaphore, #tpu.memory_space<semaphore_mem>>) src(%dma_wait3A_22 : memref<65536x96xf32, #tpu.memory_space<hbm>>) dst(%dma_wait3A_16 : memref<128x96xf32, #tpu.memory_space<vmem>>)
    %dma_start3A_23 = arith.constant 1 : i32
    %dma_start3A_24 = arith.constant 128 : i32
    %dma_start3A_25 = arith.constant 0 : i32
    %dma_start3A_26 = tpu.memref_slice %arg6[%dma_start3A_24, %dma_start3A_25] : memref<256x96xf32, #tpu.memory_space<vmem>> -> memref<128x96xf32, #tpu.memory_space<vmem>>
    %dma_start3A_27 = arith.constant 0 : i32
    %dma_start3A_28 = tpu.memref_slice %arg5[%dma_start3A_23, %dma_start3A_27] : memref<2x128xi32, #tpu.memory_space<vmem>> -> memref<1x128xi32, #tpu.memory_space<vmem>>
    %dma_start3A_29 = tpu.memref_squeeze %dma_start3A_28 : memref<1x128xi32, #tpu.memory_space<vmem>> -> memref<128xi32, #tpu.memory_space<vmem>>
    %dma_start3A_30 = arith.constant 0 : i32
    %dma_start3A_31 = arith.constant 0 : i32
    %dma_start3A_32 = tpu.memref_slice %arg2[%dma_start3A_30, %dma_start3A_31] : memref<65536x96xf32, #tpu.memory_space<hbm>> -> memref<65536x96xf32, #tpu.memory_space<hbm>>
    tpu.enqueue_indirect_dma source(%dma_start3A_32 : memref<65536x96xf32, #tpu.memory_space<hbm>>) target(%dma_start3A_26 : memref<128x96xf32, #tpu.memory_space<vmem>>) offsets(%dma_start3A_29 : memref<128xi32, #tpu.memory_space<vmem>>) semaphore(%arg7 : memref<!tpu.dma_semaphore, #tpu.memory_space<semaphore_mem>>)
    %dma_wait3A_33 = arith.constant 1 : i32
    %dma_wait3A_34 = arith.constant 128 : i32
    %dma_wait3A_35 = arith.constant 0 : i32
    %dma_wait3A_36 = tpu.memref_slice %arg6[%dma_wait3A_34, %dma_wait3A_35] : memref<256x96xf32, #tpu.memory_space<vmem>> -> memref<128x96xf32, #tpu.memory_space<vmem>>
    %dma_wait3A_37 = arith.constant 0 : i32
    %dma_wait3A_38 = tpu.memref_slice %arg5[%dma_wait3A_33, %dma_wait3A_37] : memref<2x128xi32, #tpu.memory_space<vmem>> -> memref<1x128xi32, #tpu.memory_space<vmem>>
    %dma_wait3A_39 = tpu.memref_squeeze %dma_wait3A_38 : memref<1x128xi32, #tpu.memory_space<vmem>> -> memref<128xi32, #tpu.memory_space<vmem>>
    %dma_wait3A_40 = arith.constant 0 : i32
    %dma_wait3A_41 = arith.constant 0 : i32
    %dma_wait3A_42 = tpu.memref_slice %arg2[%dma_wait3A_40, %dma_wait3A_41] : memref<65536x96xf32, #tpu.memory_space<hbm>> -> memref<65536x96xf32, #tpu.memory_space<hbm>>
    tpu.wait_indirect_dma semaphore(%arg7 : memref<!tpu.dma_semaphore, #tpu.memory_space<semaphore_mem>>) src(%dma_wait3A_42 : memref<65536x96xf32, #tpu.memory_space<hbm>>) dst(%dma_wait3A_36 : memref<128x96xf32, #tpu.memory_space<vmem>>)
    "tpu.region"() ({
      %run_scoped3A = tpu.sem_alloc : memref<!tpu.dma_semaphore, #tpu.memory_space<semaphore_mem>>
      %dma_start3A_175 = arith.constant 0 : i32
      %dma_start3A_176 = arith.constant 0 : i32
      %dma_start3A_177 = tpu.memref_slice %arg4[%add3A_4, %dma_start3A_175, %dma_start3A_176] : memref<128x256x96xf32, #tpu.memory_space<hbm>> -> memref<1x256x96xf32, #tpu.memory_space<hbm>>
      %dma_start3A_178 = tpu.memref_squeeze %dma_start3A_177 : memref<1x256x96xf32, #tpu.memory_space<hbm>> -> memref<256x96xf32, #tpu.memory_space<hbm>>
      %dma_start3A_179 = arith.constant 0 : i32
      %dma_start3A_180 = arith.constant 0 : i32
      %dma_start3A_181 = tpu.memref_slice %arg4[%add3A_4, %dma_start3A_179, %dma_start3A_180] : memref<128x256x96xf32, #tpu.memory_space<hbm>> -> memref<1x256x96xf32, #tpu.memory_space<hbm>>
      %dma_start3A_182 = tpu.memref_squeeze %dma_start3A_181 : memref<1x256x96xf32, #tpu.memory_space<hbm>> -> memref<256x96xf32, #tpu.memory_space<hbm>>
      tpu.enqueue_dma source(%arg6 : memref<256x96xf32, #tpu.memory_space<vmem>>) target(%dma_start3A_182 : memref<256x96xf32, #tpu.memory_space<hbm>>) target_semaphore(%run_scoped3A : memref<!tpu.dma_semaphore, #tpu.memory_space<semaphore_mem>>)
      %dma_wait3A_183 = arith.constant 0 : i32
      %dma_wait3A_184 = arith.constant 0 : i32
      %dma_wait3A_185 = tpu.memref_slice %arg4[%add3A_4, %dma_wait3A_183, %dma_wait3A_184] : memref<128x256x96xf32, #tpu.memory_space<hbm>> -> memref<1x256x96xf32, #tpu.memory_space<hbm>>
      %dma_wait3A_186 = tpu.memref_squeeze %dma_wait3A_185 : memref<1x256x96xf32, #tpu.memory_space<hbm>> -> memref<256x96xf32, #tpu.memory_space<hbm>>
      %dma_wait3A_187 = arith.constant 0 : i32
      %dma_wait3A_188 = arith.constant 0 : i32
      %dma_wait3A_189 = tpu.memref_slice %arg4[%add3A_4, %dma_wait3A_187, %dma_wait3A_188] : memref<128x256x96xf32, #tpu.memory_space<hbm>> -> memref<1x256x96xf32, #tpu.memory_space<hbm>>
      %dma_wait3A_190 = tpu.memref_squeeze %dma_wait3A_189 : memref<1x256x96xf32, #tpu.memory_space<hbm>> -> memref<256x96xf32, #tpu.memory_space<hbm>>
      tpu.wait_dma2 semaphore(%run_scoped3A : memref<!tpu.dma_semaphore, #tpu.memory_space<semaphore_mem>>) src(%arg6 : memref<256x96xf32, #tpu.memory_space<vmem>>) dst(%dma_wait3A_190 : memref<256x96xf32, #tpu.memory_space<hbm>>)
      tpu.yield
    }) : () -> ()
    %mul3A_43 = arith.constant 4 : i32
    %mul3A_44 = arith.muli %add3A, %mul3A_43 : i32
    %add3A_45 = arith.constant 1 : i32
    %add3A_46 = arith.addi %mul3A_44, %add3A_45 : i32
    "tpu.region"() ({
      %run_scoped3A = tpu.sem_alloc : memref<!tpu.dma_semaphore, #tpu.memory_space<semaphore_mem>>
      %dma_start3A_175 = arith.constant 0 : i32
      %dma_start3A_176 = arith.constant 0 : i32
      %dma_start3A_177 = tpu.memref_slice %arg3[%add3A_46, %dma_start3A_175, %dma_start3A_176] : memref<128x2x128xi32, #tpu.memory_space<hbm>> -> memref<1x2x128xi32, #tpu.memory_space<hbm>>
      %dma_start3A_178 = tpu.memref_squeeze %dma_start3A_177 : memref<1x2x128xi32, #tpu.memory_space<hbm>> -> memref<2x128xi32, #tpu.memory_space<hbm>>
      %dma_start3A_179 = arith.constant 0 : i32
      %dma_start3A_180 = arith.constant 0 : i32
      %dma_start3A_181 = tpu.memref_slice %arg3[%add3A_46, %dma_start3A_179, %dma_start3A_180] : memref<128x2x128xi32, #tpu.memory_space<hbm>> -> memref<1x2x128xi32, #tpu.memory_space<hbm>>
      %dma_start3A_182 = tpu.memref_squeeze %dma_start3A_181 : memref<1x2x128xi32, #tpu.memory_space<hbm>> -> memref<2x128xi32, #tpu.memory_space<hbm>>
      tpu.enqueue_dma source(%dma_start3A_182 : memref<2x128xi32, #tpu.memory_space<hbm>>) target(%arg5 : memref<2x128xi32, #tpu.memory_space<vmem>>) target_semaphore(%run_scoped3A : memref<!tpu.dma_semaphore, #tpu.memory_space<semaphore_mem>>)
      %dma_wait3A_183 = arith.constant 0 : i32
      %dma_wait3A_184 = arith.constant 0 : i32
      %dma_wait3A_185 = tpu.memref_slice %arg3[%add3A_46, %dma_wait3A_183, %dma_wait3A_184] : memref<128x2x128xi32, #tpu.memory_space<hbm>> -> memref<1x2x128xi32, #tpu.memory_space<hbm>>
      %dma_wait3A_186 = tpu.memref_squeeze %dma_wait3A_185 : memref<1x2x128xi32, #tpu.memory_space<hbm>> -> memref<2x128xi32, #tpu.memory_space<hbm>>
      %dma_wait3A_187 = arith.constant 0 : i32
      %dma_wait3A_188 = arith.constant 0 : i32
      %dma_wait3A_189 = tpu.memref_slice %arg3[%add3A_46, %dma_wait3A_187, %dma_wait3A_188] : memref<128x2x128xi32, #tpu.memory_space<hbm>> -> memref<1x2x128xi32, #tpu.memory_space<hbm>>
      %dma_wait3A_190 = tpu.memref_squeeze %dma_wait3A_189 : memref<1x2x128xi32, #tpu.memory_space<hbm>> -> memref<2x128xi32, #tpu.memory_space<hbm>>
      tpu.wait_dma2 semaphore(%run_scoped3A : memref<!tpu.dma_semaphore, #tpu.memory_space<semaphore_mem>>) src(%dma_wait3A_190 : memref<2x128xi32, #tpu.memory_space<hbm>>) dst(%arg5 : memref<2x128xi32, #tpu.memory_space<vmem>>)
      tpu.yield
    }) : () -> ()
    %dma_start3A_47 = arith.constant 0 : i32
    %dma_start3A_48 = arith.constant 0 : i32
    %dma_start3A_49 = arith.constant 0 : i32
    %dma_start3A_50 = tpu.memref_slice %arg6[%dma_start3A_48, %dma_start3A_49] : memref<256x96xf32, #tpu.memory_space<vmem>> -> memref<128x96xf32, #tpu.memory_space<vmem>>
    %dma_start3A_51 = arith.constant 0 : i32
    %dma_start3A_52 = tpu.memref_slice %arg5[%dma_start3A_47, %dma_start3A_51] : memref<2x128xi32, #tpu.memory_space<vmem>> -> memref<1x128xi32, #tpu.memory_space<vmem>>
    %dma_start3A_53 = tpu.memref_squeeze %dma_start3A_52 : memref<1x128xi32, #tpu.memory_space<vmem>> -> memref<128xi32, #tpu.memory_space<vmem>>
    %dma_start3A_54 = arith.constant 0 : i32
    %dma_start3A_55 = arith.constant 0 : i32
    %dma_start3A_56 = tpu.memref_slice %arg2[%dma_start3A_54, %dma_start3A_55] : memref<65536x96xf32, #tpu.memory_space<hbm>> -> memref<65536x96xf32, #tpu.memory_space<hbm>>
    tpu.enqueue_indirect_dma source(%dma_start3A_56 : memref<65536x96xf32, #tpu.memory_space<hbm>>) target(%dma_start3A_50 : memref<128x96xf32, #tpu.memory_space<vmem>>) offsets(%dma_start3A_53 : memref<128xi32, #tpu.memory_space<vmem>>) semaphore(%arg7 : memref<!tpu.dma_semaphore, #tpu.memory_space<semaphore_mem>>)
    %dma_wait3A_57 = arith.constant 0 : i32
    %dma_wait3A_58 = arith.constant 0 : i32
    %dma_wait3A_59 = arith.constant 0 : i32
    %dma_wait3A_60 = tpu.memref_slice %arg6[%dma_wait3A_58, %dma_wait3A_59] : memref<256x96xf32, #tpu.memory_space<vmem>> -> memref<128x96xf32, #tpu.memory_space<vmem>>
    %dma_wait3A_61 = arith.constant 0 : i32
    %dma_wait3A_62 = tpu.memref_slice %arg5[%dma_wait3A_57, %dma_wait3A_61] : memref<2x128xi32, #tpu.memory_space<vmem>> -> memref<1x128xi32, #tpu.memory_space<vmem>>
    %dma_wait3A_63 = tpu.memref_squeeze %dma_wait3A_62 : memref<1x128xi32, #tpu.memory_space<vmem>> -> memref<128xi32, #tpu.memory_space<vmem>>
    %dma_wait3A_64 = arith.constant 0 : i32
    %dma_wait3A_65 = arith.constant 0 : i32
    %dma_wait3A_66 = tpu.memref_slice %arg2[%dma_wait3A_64, %dma_wait3A_65] : memref<65536x96xf32, #tpu.memory_space<hbm>> -> memref<65536x96xf32, #tpu.memory_space<hbm>>
    tpu.wait_indirect_dma semaphore(%arg7 : memref<!tpu.dma_semaphore, #tpu.memory_space<semaphore_mem>>) src(%dma_wait3A_66 : memref<65536x96xf32, #tpu.memory_space<hbm>>) dst(%dma_wait3A_60 : memref<128x96xf32, #tpu.memory_space<vmem>>)
    %dma_start3A_67 = arith.constant 1 : i32
    %dma_start3A_68 = arith.constant 128 : i32
    %dma_start3A_69 = arith.constant 0 : i32
    %dma_start3A_70 = tpu.memref_slice %arg6[%dma_start3A_68, %dma_start3A_69] : memref<256x96xf32, #tpu.memory_space<vmem>> -> memref<128x96xf32, #tpu.memory_space<vmem>>
    %dma_start3A_71 = arith.constant 0 : i32
    %dma_start3A_72 = tpu.memref_slice %arg5[%dma_start3A_67, %dma_start3A_71] : memref<2x128xi32, #tpu.memory_space<vmem>> -> memref<1x128xi32, #tpu.memory_space<vmem>>
    %dma_start3A_73 = tpu.memref_squeeze %dma_start3A_72 : memref<1x128xi32, #tpu.memory_space<vmem>> -> memref<128xi32, #tpu.memory_space<vmem>>
    %dma_start3A_74 = arith.constant 0 : i32
    %dma_start3A_75 = arith.constant 0 : i32
    %dma_start3A_76 = tpu.memref_slice %arg2[%dma_start3A_74, %dma_start3A_75] : memref<65536x96xf32, #tpu.memory_space<hbm>> -> memref<65536x96xf32, #tpu.memory_space<hbm>>
    tpu.enqueue_indirect_dma source(%dma_start3A_76 : memref<65536x96xf32, #tpu.memory_space<hbm>>) target(%dma_start3A_70 : memref<128x96xf32, #tpu.memory_space<vmem>>) offsets(%dma_start3A_73 : memref<128xi32, #tpu.memory_space<vmem>>) semaphore(%arg7 : memref<!tpu.dma_semaphore, #tpu.memory_space<semaphore_mem>>)
    %dma_wait3A_77 = arith.constant 1 : i32
    %dma_wait3A_78 = arith.constant 128 : i32
    %dma_wait3A_79 = arith.constant 0 : i32
    %dma_wait3A_80 = tpu.memref_slice %arg6[%dma_wait3A_78, %dma_wait3A_79] : memref<256x96xf32, #tpu.memory_space<vmem>> -> memref<128x96xf32, #tpu.memory_space<vmem>>
    %dma_wait3A_81 = arith.constant 0 : i32
    %dma_wait3A_82 = tpu.memref_slice %arg5[%dma_wait3A_77, %dma_wait3A_81] : memref<2x128xi32, #tpu.memory_space<vmem>> -> memref<1x128xi32, #tpu.memory_space<vmem>>
    %dma_wait3A_83 = tpu.memref_squeeze %dma_wait3A_82 : memref<1x128xi32, #tpu.memory_space<vmem>> -> memref<128xi32, #tpu.memory_space<vmem>>
    %dma_wait3A_84 = arith.constant 0 : i32
    %dma_wait3A_85 = arith.constant 0 : i32
    %dma_wait3A_86 = tpu.memref_slice %arg2[%dma_wait3A_84, %dma_wait3A_85] : memref<65536x96xf32, #tpu.memory_space<hbm>> -> memref<65536x96xf32, #tpu.memory_space<hbm>>
    tpu.wait_indirect_dma semaphore(%arg7 : memref<!tpu.dma_semaphore, #tpu.memory_space<semaphore_mem>>) src(%dma_wait3A_86 : memref<65536x96xf32, #tpu.memory_space<hbm>>) dst(%dma_wait3A_80 : memref<128x96xf32, #tpu.memory_space<vmem>>)
    "tpu.region"() ({
      %run_scoped3A = tpu.sem_alloc : memref<!tpu.dma_semaphore, #tpu.memory_space<semaphore_mem>>
      %dma_start3A_175 = arith.constant 0 : i32
      %dma_start3A_176 = arith.constant 0 : i32
      %dma_start3A_177 = tpu.memref_slice %arg4[%add3A_46, %dma_start3A_175, %dma_start3A_176] : memref<128x256x96xf32, #tpu.memory_space<hbm>> -> memref<1x256x96xf32, #tpu.memory_space<hbm>>
      %dma_start3A_178 = tpu.memref_squeeze %dma_start3A_177 : memref<1x256x96xf32, #tpu.memory_space<hbm>> -> memref<256x96xf32, #tpu.memory_space<hbm>>
      %dma_start3A_179 = arith.constant 0 : i32
      %dma_start3A_180 = arith.constant 0 : i32
      %dma_start3A_181 = tpu.memref_slice %arg4[%add3A_46, %dma_start3A_179, %dma_start3A_180] : memref<128x256x96xf32, #tpu.memory_space<hbm>> -> memref<1x256x96xf32, #tpu.memory_space<hbm>>
      %dma_start3A_182 = tpu.memref_squeeze %dma_start3A_181 : memref<1x256x96xf32, #tpu.memory_space<hbm>> -> memref<256x96xf32, #tpu.memory_space<hbm>>
      tpu.enqueue_dma source(%arg6 : memref<256x96xf32, #tpu.memory_space<vmem>>) target(%dma_start3A_182 : memref<256x96xf32, #tpu.memory_space<hbm>>) target_semaphore(%run_scoped3A : memref<!tpu.dma_semaphore, #tpu.memory_space<semaphore_mem>>)
      %dma_wait3A_183 = arith.constant 0 : i32
      %dma_wait3A_184 = arith.constant 0 : i32
      %dma_wait3A_185 = tpu.memref_slice %arg4[%add3A_46, %dma_wait3A_183, %dma_wait3A_184] : memref<128x256x96xf32, #tpu.memory_space<hbm>> -> memref<1x256x96xf32, #tpu.memory_space<hbm>>
      %dma_wait3A_186 = tpu.memref_squeeze %dma_wait3A_185 : memref<1x256x96xf32, #tpu.memory_space<hbm>> -> memref<256x96xf32, #tpu.memory_space<hbm>>
      %dma_wait3A_187 = arith.constant 0 : i32
      %dma_wait3A_188 = arith.constant 0 : i32
      %dma_wait3A_189 = tpu.memref_slice %arg4[%add3A_46, %dma_wait3A_187, %dma_wait3A_188] : memref<128x256x96xf32, #tpu.memory_space<hbm>> -> memref<1x256x96xf32, #tpu.memory_space<hbm>>
      %dma_wait3A_190 = tpu.memref_squeeze %dma_wait3A_189 : memref<1x256x96xf32, #tpu.memory_space<hbm>> -> memref<256x96xf32, #tpu.memory_space<hbm>>
      tpu.wait_dma2 semaphore(%run_scoped3A : memref<!tpu.dma_semaphore, #tpu.memory_space<semaphore_mem>>) src(%arg6 : memref<256x96xf32, #tpu.memory_space<vmem>>) dst(%dma_wait3A_190 : memref<256x96xf32, #tpu.memory_space<hbm>>)
      tpu.yield
    }) : () -> ()
    %mul3A_87 = arith.constant 4 : i32
    %mul3A_88 = arith.muli %add3A, %mul3A_87 : i32
    %add3A_89 = arith.constant 2 : i32
    %add3A_90 = arith.addi %mul3A_88, %add3A_89 : i32
    "tpu.region"() ({
      %run_scoped3A = tpu.sem_alloc : memref<!tpu.dma_semaphore, #tpu.memory_space<semaphore_mem>>
      %dma_start3A_175 = arith.constant 0 : i32
      %dma_start3A_176 = arith.constant 0 : i32
      %dma_start3A_177 = tpu.memref_slice %arg3[%add3A_90, %dma_start3A_175, %dma_start3A_176] : memref<128x2x128xi32, #tpu.memory_space<hbm>> -> memref<1x2x128xi32, #tpu.memory_space<hbm>>
      %dma_start3A_178 = tpu.memref_squeeze %dma_start3A_177 : memref<1x2x128xi32, #tpu.memory_space<hbm>> -> memref<2x128xi32, #tpu.memory_space<hbm>>
      %dma_start3A_179 = arith.constant 0 : i32
      %dma_start3A_180 = arith.constant 0 : i32
      %dma_start3A_181 = tpu.memref_slice %arg3[%add3A_90, %dma_start3A_179, %dma_start3A_180] : memref<128x2x128xi32, #tpu.memory_space<hbm>> -> memref<1x2x128xi32, #tpu.memory_space<hbm>>
      %dma_start3A_182 = tpu.memref_squeeze %dma_start3A_181 : memref<1x2x128xi32, #tpu.memory_space<hbm>> -> memref<2x128xi32, #tpu.memory_space<hbm>>
      tpu.enqueue_dma source(%dma_start3A_182 : memref<2x128xi32, #tpu.memory_space<hbm>>) target(%arg5 : memref<2x128xi32, #tpu.memory_space<vmem>>) target_semaphore(%run_scoped3A : memref<!tpu.dma_semaphore, #tpu.memory_space<semaphore_mem>>)
      %dma_wait3A_183 = arith.constant 0 : i32
      %dma_wait3A_184 = arith.constant 0 : i32
      %dma_wait3A_185 = tpu.memref_slice %arg3[%add3A_90, %dma_wait3A_183, %dma_wait3A_184] : memref<128x2x128xi32, #tpu.memory_space<hbm>> -> memref<1x2x128xi32, #tpu.memory_space<hbm>>
      %dma_wait3A_186 = tpu.memref_squeeze %dma_wait3A_185 : memref<1x2x128xi32, #tpu.memory_space<hbm>> -> memref<2x128xi32, #tpu.memory_space<hbm>>
      %dma_wait3A_187 = arith.constant 0 : i32
      %dma_wait3A_188 = arith.constant 0 : i32
      %dma_wait3A_189 = tpu.memref_slice %arg3[%add3A_90, %dma_wait3A_187, %dma_wait3A_188] : memref<128x2x128xi32, #tpu.memory_space<hbm>> -> memref<1x2x128xi32, #tpu.memory_space<hbm>>
      %dma_wait3A_190 = tpu.memref_squeeze %dma_wait3A_189 : memref<1x2x128xi32, #tpu.memory_space<hbm>> -> memref<2x128xi32, #tpu.memory_space<hbm>>
      tpu.wait_dma2 semaphore(%run_scoped3A : memref<!tpu.dma_semaphore, #tpu.memory_space<semaphore_mem>>) src(%dma_wait3A_190 : memref<2x128xi32, #tpu.memory_space<hbm>>) dst(%arg5 : memref<2x128xi32, #tpu.memory_space<vmem>>)
      tpu.yield
    }) : () -> ()
    %dma_start3A_91 = arith.constant 0 : i32
    %dma_start3A_92 = arith.constant 0 : i32
    %dma_start3A_93 = arith.constant 0 : i32
    %dma_start3A_94 = tpu.memref_slice %arg6[%dma_start3A_92, %dma_start3A_93] : memref<256x96xf32, #tpu.memory_space<vmem>> -> memref<128x96xf32, #tpu.memory_space<vmem>>
    %dma_start3A_95 = arith.constant 0 : i32
    %dma_start3A_96 = tpu.memref_slice %arg5[%dma_start3A_91, %dma_start3A_95] : memref<2x128xi32, #tpu.memory_space<vmem>> -> memref<1x128xi32, #tpu.memory_space<vmem>>
    %dma_start3A_97 = tpu.memref_squeeze %dma_start3A_96 : memref<1x128xi32, #tpu.memory_space<vmem>> -> memref<128xi32, #tpu.memory_space<vmem>>
    %dma_start3A_98 = arith.constant 0 : i32
    %dma_start3A_99 = arith.constant 0 : i32
    %dma_start3A_100 = tpu.memref_slice %arg2[%dma_start3A_98, %dma_start3A_99] : memref<65536x96xf32, #tpu.memory_space<hbm>> -> memref<65536x96xf32, #tpu.memory_space<hbm>>
    tpu.enqueue_indirect_dma source(%dma_start3A_100 : memref<65536x96xf32, #tpu.memory_space<hbm>>) target(%dma_start3A_94 : memref<128x96xf32, #tpu.memory_space<vmem>>) offsets(%dma_start3A_97 : memref<128xi32, #tpu.memory_space<vmem>>) semaphore(%arg7 : memref<!tpu.dma_semaphore, #tpu.memory_space<semaphore_mem>>)
    %dma_wait3A_101 = arith.constant 0 : i32
    %dma_wait3A_102 = arith.constant 0 : i32
    %dma_wait3A_103 = arith.constant 0 : i32
    %dma_wait3A_104 = tpu.memref_slice %arg6[%dma_wait3A_102, %dma_wait3A_103] : memref<256x96xf32, #tpu.memory_space<vmem>> -> memref<128x96xf32, #tpu.memory_space<vmem>>
    %dma_wait3A_105 = arith.constant 0 : i32
    %dma_wait3A_106 = tpu.memref_slice %arg5[%dma_wait3A_101, %dma_wait3A_105] : memref<2x128xi32, #tpu.memory_space<vmem>> -> memref<1x128xi32, #tpu.memory_space<vmem>>
    %dma_wait3A_107 = tpu.memref_squeeze %dma_wait3A_106 : memref<1x128xi32, #tpu.memory_space<vmem>> -> memref<128xi32, #tpu.memory_space<vmem>>
    %dma_wait3A_108 = arith.constant 0 : i32
    %dma_wait3A_109 = arith.constant 0 : i32
    %dma_wait3A_110 = tpu.memref_slice %arg2[%dma_wait3A_108, %dma_wait3A_109] : memref<65536x96xf32, #tpu.memory_space<hbm>> -> memref<65536x96xf32, #tpu.memory_space<hbm>>
    tpu.wait_indirect_dma semaphore(%arg7 : memref<!tpu.dma_semaphore, #tpu.memory_space<semaphore_mem>>) src(%dma_wait3A_110 : memref<65536x96xf32, #tpu.memory_space<hbm>>) dst(%dma_wait3A_104 : memref<128x96xf32, #tpu.memory_space<vmem>>)
    %dma_start3A_111 = arith.constant 1 : i32
    %dma_start3A_112 = arith.constant 128 : i32
    %dma_start3A_113 = arith.constant 0 : i32
    %dma_start3A_114 = tpu.memref_slice %arg6[%dma_start3A_112, %dma_start3A_113] : memref<256x96xf32, #tpu.memory_space<vmem>> -> memref<128x96xf32, #tpu.memory_space<vmem>>
    %dma_start3A_115 = arith.constant 0 : i32
    %dma_start3A_116 = tpu.memref_slice %arg5[%dma_start3A_111, %dma_start3A_115] : memref<2x128xi32, #tpu.memory_space<vmem>> -> memref<1x128xi32, #tpu.memory_space<vmem>>
    %dma_start3A_117 = tpu.memref_squeeze %dma_start3A_116 : memref<1x128xi32, #tpu.memory_space<vmem>> -> memref<128xi32, #tpu.memory_space<vmem>>
    %dma_start3A_118 = arith.constant 0 : i32
    %dma_start3A_119 = arith.constant 0 : i32
    %dma_start3A_120 = tpu.memref_slice %arg2[%dma_start3A_118, %dma_start3A_119] : memref<65536x96xf32, #tpu.memory_space<hbm>> -> memref<65536x96xf32, #tpu.memory_space<hbm>>
    tpu.enqueue_indirect_dma source(%dma_start3A_120 : memref<65536x96xf32, #tpu.memory_space<hbm>>) target(%dma_start3A_114 : memref<128x96xf32, #tpu.memory_space<vmem>>) offsets(%dma_start3A_117 : memref<128xi32, #tpu.memory_space<vmem>>) semaphore(%arg7 : memref<!tpu.dma_semaphore, #tpu.memory_space<semaphore_mem>>)
    %dma_wait3A_121 = arith.constant 1 : i32
    %dma_wait3A_122 = arith.constant 128 : i32
    %dma_wait3A_123 = arith.constant 0 : i32
    %dma_wait3A_124 = tpu.memref_slice %arg6[%dma_wait3A_122, %dma_wait3A_123] : memref<256x96xf32, #tpu.memory_space<vmem>> -> memref<128x96xf32, #tpu.memory_space<vmem>>
    %dma_wait3A_125 = arith.constant 0 : i32
    %dma_wait3A_126 = tpu.memref_slice %arg5[%dma_wait3A_121, %dma_wait3A_125] : memref<2x128xi32, #tpu.memory_space<vmem>> -> memref<1x128xi32, #tpu.memory_space<vmem>>
    %dma_wait3A_127 = tpu.memref_squeeze %dma_wait3A_126 : memref<1x128xi32, #tpu.memory_space<vmem>> -> memref<128xi32, #tpu.memory_space<vmem>>
    %dma_wait3A_128 = arith.constant 0 : i32
    %dma_wait3A_129 = arith.constant 0 : i32
    %dma_wait3A_130 = tpu.memref_slice %arg2[%dma_wait3A_128, %dma_wait3A_129] : memref<65536x96xf32, #tpu.memory_space<hbm>> -> memref<65536x96xf32, #tpu.memory_space<hbm>>
    tpu.wait_indirect_dma semaphore(%arg7 : memref<!tpu.dma_semaphore, #tpu.memory_space<semaphore_mem>>) src(%dma_wait3A_130 : memref<65536x96xf32, #tpu.memory_space<hbm>>) dst(%dma_wait3A_124 : memref<128x96xf32, #tpu.memory_space<vmem>>)
    "tpu.region"() ({
      %run_scoped3A = tpu.sem_alloc : memref<!tpu.dma_semaphore, #tpu.memory_space<semaphore_mem>>
      %dma_start3A_175 = arith.constant 0 : i32
      %dma_start3A_176 = arith.constant 0 : i32
      %dma_start3A_177 = tpu.memref_slice %arg4[%add3A_90, %dma_start3A_175, %dma_start3A_176] : memref<128x256x96xf32, #tpu.memory_space<hbm>> -> memref<1x256x96xf32, #tpu.memory_space<hbm>>
      %dma_start3A_178 = tpu.memref_squeeze %dma_start3A_177 : memref<1x256x96xf32, #tpu.memory_space<hbm>> -> memref<256x96xf32, #tpu.memory_space<hbm>>
      %dma_start3A_179 = arith.constant 0 : i32
      %dma_start3A_180 = arith.constant 0 : i32
      %dma_start3A_181 = tpu.memref_slice %arg4[%add3A_90, %dma_start3A_179, %dma_start3A_180] : memref<128x256x96xf32, #tpu.memory_space<hbm>> -> memref<1x256x96xf32, #tpu.memory_space<hbm>>
      %dma_start3A_182 = tpu.memref_squeeze %dma_start3A_181 : memref<1x256x96xf32, #tpu.memory_space<hbm>> -> memref<256x96xf32, #tpu.memory_space<hbm>>
      tpu.enqueue_dma source(%arg6 : memref<256x96xf32, #tpu.memory_space<vmem>>) target(%dma_start3A_182 : memref<256x96xf32, #tpu.memory_space<hbm>>) target_semaphore(%run_scoped3A : memref<!tpu.dma_semaphore, #tpu.memory_space<semaphore_mem>>)
      %dma_wait3A_183 = arith.constant 0 : i32
      %dma_wait3A_184 = arith.constant 0 : i32
      %dma_wait3A_185 = tpu.memref_slice %arg4[%add3A_90, %dma_wait3A_183, %dma_wait3A_184] : memref<128x256x96xf32, #tpu.memory_space<hbm>> -> memref<1x256x96xf32, #tpu.memory_space<hbm>>
      %dma_wait3A_186 = tpu.memref_squeeze %dma_wait3A_185 : memref<1x256x96xf32, #tpu.memory_space<hbm>> -> memref<256x96xf32, #tpu.memory_space<hbm>>
      %dma_wait3A_187 = arith.constant 0 : i32
      %dma_wait3A_188 = arith.constant 0 : i32
      %dma_wait3A_189 = tpu.memref_slice %arg4[%add3A_90, %dma_wait3A_187, %dma_wait3A_188] : memref<128x256x96xf32, #tpu.memory_space<hbm>> -> memref<1x256x96xf32, #tpu.memory_space<hbm>>
      %dma_wait3A_190 = tpu.memref_squeeze %dma_wait3A_189 : memref<1x256x96xf32, #tpu.memory_space<hbm>> -> memref<256x96xf32, #tpu.memory_space<hbm>>
      tpu.wait_dma2 semaphore(%run_scoped3A : memref<!tpu.dma_semaphore, #tpu.memory_space<semaphore_mem>>) src(%arg6 : memref<256x96xf32, #tpu.memory_space<vmem>>) dst(%dma_wait3A_190 : memref<256x96xf32, #tpu.memory_space<hbm>>)
      tpu.yield
    }) : () -> ()
    %mul3A_131 = arith.constant 4 : i32
    %mul3A_132 = arith.muli %add3A, %mul3A_131 : i32
    %add3A_133 = arith.constant 3 : i32
    %add3A_134 = arith.addi %mul3A_132, %add3A_133 : i32
    "tpu.region"() ({
      %run_scoped3A = tpu.sem_alloc : memref<!tpu.dma_semaphore, #tpu.memory_space<semaphore_mem>>
      %dma_start3A_175 = arith.constant 0 : i32
      %dma_start3A_176 = arith.constant 0 : i32
      %dma_start3A_177 = tpu.memref_slice %arg3[%add3A_134, %dma_start3A_175, %dma_start3A_176] : memref<128x2x128xi32, #tpu.memory_space<hbm>> -> memref<1x2x128xi32, #tpu.memory_space<hbm>>
      %dma_start3A_178 = tpu.memref_squeeze %dma_start3A_177 : memref<1x2x128xi32, #tpu.memory_space<hbm>> -> memref<2x128xi32, #tpu.memory_space<hbm>>
      %dma_start3A_179 = arith.constant 0 : i32
      %dma_start3A_180 = arith.constant 0 : i32
      %dma_start3A_181 = tpu.memref_slice %arg3[%add3A_134, %dma_start3A_179, %dma_start3A_180] : memref<128x2x128xi32, #tpu.memory_space<hbm>> -> memref<1x2x128xi32, #tpu.memory_space<hbm>>
      %dma_start3A_182 = tpu.memref_squeeze %dma_start3A_181 : memref<1x2x128xi32, #tpu.memory_space<hbm>> -> memref<2x128xi32, #tpu.memory_space<hbm>>
      tpu.enqueue_dma source(%dma_start3A_182 : memref<2x128xi32, #tpu.memory_space<hbm>>) target(%arg5 : memref<2x128xi32, #tpu.memory_space<vmem>>) target_semaphore(%run_scoped3A : memref<!tpu.dma_semaphore, #tpu.memory_space<semaphore_mem>>)
      %dma_wait3A_183 = arith.constant 0 : i32
      %dma_wait3A_184 = arith.constant 0 : i32
      %dma_wait3A_185 = tpu.memref_slice %arg3[%add3A_134, %dma_wait3A_183, %dma_wait3A_184] : memref<128x2x128xi32, #tpu.memory_space<hbm>> -> memref<1x2x128xi32, #tpu.memory_space<hbm>>
      %dma_wait3A_186 = tpu.memref_squeeze %dma_wait3A_185 : memref<1x2x128xi32, #tpu.memory_space<hbm>> -> memref<2x128xi32, #tpu.memory_space<hbm>>
      %dma_wait3A_187 = arith.constant 0 : i32
      %dma_wait3A_188 = arith.constant 0 : i32
      %dma_wait3A_189 = tpu.memref_slice %arg3[%add3A_134, %dma_wait3A_187, %dma_wait3A_188] : memref<128x2x128xi32, #tpu.memory_space<hbm>> -> memref<1x2x128xi32, #tpu.memory_space<hbm>>
      %dma_wait3A_190 = tpu.memref_squeeze %dma_wait3A_189 : memref<1x2x128xi32, #tpu.memory_space<hbm>> -> memref<2x128xi32, #tpu.memory_space<hbm>>
      tpu.wait_dma2 semaphore(%run_scoped3A : memref<!tpu.dma_semaphore, #tpu.memory_space<semaphore_mem>>) src(%dma_wait3A_190 : memref<2x128xi32, #tpu.memory_space<hbm>>) dst(%arg5 : memref<2x128xi32, #tpu.memory_space<vmem>>)
      tpu.yield
    }) : () -> ()
    %dma_start3A_135 = arith.constant 0 : i32
    %dma_start3A_136 = arith.constant 0 : i32
    %dma_start3A_137 = arith.constant 0 : i32
    %dma_start3A_138 = tpu.memref_slice %arg6[%dma_start3A_136, %dma_start3A_137] : memref<256x96xf32, #tpu.memory_space<vmem>> -> memref<128x96xf32, #tpu.memory_space<vmem>>
    %dma_start3A_139 = arith.constant 0 : i32
    %dma_start3A_140 = tpu.memref_slice %arg5[%dma_start3A_135, %dma_start3A_139] : memref<2x128xi32, #tpu.memory_space<vmem>> -> memref<1x128xi32, #tpu.memory_space<vmem>>
    %dma_start3A_141 = tpu.memref_squeeze %dma_start3A_140 : memref<1x128xi32, #tpu.memory_space<vmem>> -> memref<128xi32, #tpu.memory_space<vmem>>
    %dma_start3A_142 = arith.constant 0 : i32
    %dma_start3A_143 = arith.constant 0 : i32
    %dma_start3A_144 = tpu.memref_slice %arg2[%dma_start3A_142, %dma_start3A_143] : memref<65536x96xf32, #tpu.memory_space<hbm>> -> memref<65536x96xf32, #tpu.memory_space<hbm>>
    tpu.enqueue_indirect_dma source(%dma_start3A_144 : memref<65536x96xf32, #tpu.memory_space<hbm>>) target(%dma_start3A_138 : memref<128x96xf32, #tpu.memory_space<vmem>>) offsets(%dma_start3A_141 : memref<128xi32, #tpu.memory_space<vmem>>) semaphore(%arg7 : memref<!tpu.dma_semaphore, #tpu.memory_space<semaphore_mem>>)
    %dma_wait3A_145 = arith.constant 0 : i32
    %dma_wait3A_146 = arith.constant 0 : i32
    %dma_wait3A_147 = arith.constant 0 : i32
    %dma_wait3A_148 = tpu.memref_slice %arg6[%dma_wait3A_146, %dma_wait3A_147] : memref<256x96xf32, #tpu.memory_space<vmem>> -> memref<128x96xf32, #tpu.memory_space<vmem>>
    %dma_wait3A_149 = arith.constant 0 : i32
    %dma_wait3A_150 = tpu.memref_slice %arg5[%dma_wait3A_145, %dma_wait3A_149] : memref<2x128xi32, #tpu.memory_space<vmem>> -> memref<1x128xi32, #tpu.memory_space<vmem>>
    %dma_wait3A_151 = tpu.memref_squeeze %dma_wait3A_150 : memref<1x128xi32, #tpu.memory_space<vmem>> -> memref<128xi32, #tpu.memory_space<vmem>>
    %dma_wait3A_152 = arith.constant 0 : i32
    %dma_wait3A_153 = arith.constant 0 : i32
    %dma_wait3A_154 = tpu.memref_slice %arg2[%dma_wait3A_152, %dma_wait3A_153] : memref<65536x96xf32, #tpu.memory_space<hbm>> -> memref<65536x96xf32, #tpu.memory_space<hbm>>
    tpu.wait_indirect_dma semaphore(%arg7 : memref<!tpu.dma_semaphore, #tpu.memory_space<semaphore_mem>>) src(%dma_wait3A_154 : memref<65536x96xf32, #tpu.memory_space<hbm>>) dst(%dma_wait3A_148 : memref<128x96xf32, #tpu.memory_space<vmem>>)
    %dma_start3A_155 = arith.constant 1 : i32
    %dma_start3A_156 = arith.constant 128 : i32
    %dma_start3A_157 = arith.constant 0 : i32
    %dma_start3A_158 = tpu.memref_slice %arg6[%dma_start3A_156, %dma_start3A_157] : memref<256x96xf32, #tpu.memory_space<vmem>> -> memref<128x96xf32, #tpu.memory_space<vmem>>
    %dma_start3A_159 = arith.constant 0 : i32
    %dma_start3A_160 = tpu.memref_slice %arg5[%dma_start3A_155, %dma_start3A_159] : memref<2x128xi32, #tpu.memory_space<vmem>> -> memref<1x128xi32, #tpu.memory_space<vmem>>
    %dma_start3A_161 = tpu.memref_squeeze %dma_start3A_160 : memref<1x128xi32, #tpu.memory_space<vmem>> -> memref<128xi32, #tpu.memory_space<vmem>>
    %dma_start3A_162 = arith.constant 0 : i32
    %dma_start3A_163 = arith.constant 0 : i32
    %dma_start3A_164 = tpu.memref_slice %arg2[%dma_start3A_162, %dma_start3A_163] : memref<65536x96xf32, #tpu.memory_space<hbm>> -> memref<65536x96xf32, #tpu.memory_space<hbm>>
    tpu.enqueue_indirect_dma source(%dma_start3A_164 : memref<65536x96xf32, #tpu.memory_space<hbm>>) target(%dma_start3A_158 : memref<128x96xf32, #tpu.memory_space<vmem>>) offsets(%dma_start3A_161 : memref<128xi32, #tpu.memory_space<vmem>>) semaphore(%arg7 : memref<!tpu.dma_semaphore, #tpu.memory_space<semaphore_mem>>)
    %dma_wait3A_165 = arith.constant 1 : i32
    %dma_wait3A_166 = arith.constant 128 : i32
    %dma_wait3A_167 = arith.constant 0 : i32
    %dma_wait3A_168 = tpu.memref_slice %arg6[%dma_wait3A_166, %dma_wait3A_167] : memref<256x96xf32, #tpu.memory_space<vmem>> -> memref<128x96xf32, #tpu.memory_space<vmem>>
    %dma_wait3A_169 = arith.constant 0 : i32
    %dma_wait3A_170 = tpu.memref_slice %arg5[%dma_wait3A_165, %dma_wait3A_169] : memref<2x128xi32, #tpu.memory_space<vmem>> -> memref<1x128xi32, #tpu.memory_space<vmem>>
    %dma_wait3A_171 = tpu.memref_squeeze %dma_wait3A_170 : memref<1x128xi32, #tpu.memory_space<vmem>> -> memref<128xi32, #tpu.memory_space<vmem>>
    %dma_wait3A_172 = arith.constant 0 : i32
    %dma_wait3A_173 = arith.constant 0 : i32
    %dma_wait3A_174 = tpu.memref_slice %arg2[%dma_wait3A_172, %dma_wait3A_173] : memref<65536x96xf32, #tpu.memory_space<hbm>> -> memref<65536x96xf32, #tpu.memory_space<hbm>>
    tpu.wait_indirect_dma semaphore(%arg7 : memref<!tpu.dma_semaphore, #tpu.memory_space<semaphore_mem>>) src(%dma_wait3A_174 : memref<65536x96xf32, #tpu.memory_space<hbm>>) dst(%dma_wait3A_168 : memref<128x96xf32, #tpu.memory_space<vmem>>)
    "tpu.region"() ({
      %run_scoped3A = tpu.sem_alloc : memref<!tpu.dma_semaphore, #tpu.memory_space<semaphore_mem>>
      %dma_start3A_175 = arith.constant 0 : i32
      %dma_start3A_176 = arith.constant 0 : i32
      %dma_start3A_177 = tpu.memref_slice %arg4[%add3A_134, %dma_start3A_175, %dma_start3A_176] : memref<128x256x96xf32, #tpu.memory_space<hbm>> -> memref<1x256x96xf32, #tpu.memory_space<hbm>>
      %dma_start3A_178 = tpu.memref_squeeze %dma_start3A_177 : memref<1x256x96xf32, #tpu.memory_space<hbm>> -> memref<256x96xf32, #tpu.memory_space<hbm>>
      %dma_start3A_179 = arith.constant 0 : i32
      %dma_start3A_180 = arith.constant 0 : i32
      %dma_start3A_181 = tpu.memref_slice %arg4[%add3A_134, %dma_start3A_179, %dma_start3A_180] : memref<128x256x96xf32, #tpu.memory_space<hbm>> -> memref<1x256x96xf32, #tpu.memory_space<hbm>>
      %dma_start3A_182 = tpu.memref_squeeze %dma_start3A_181 : memref<1x256x96xf32, #tpu.memory_space<hbm>> -> memref<256x96xf32, #tpu.memory_space<hbm>>
      tpu.enqueue_dma source(%arg6 : memref<256x96xf32, #tpu.memory_space<vmem>>) target(%dma_start3A_182 : memref<256x96xf32, #tpu.memory_space<hbm>>) target_semaphore(%run_scoped3A : memref<!tpu.dma_semaphore, #tpu.memory_space<semaphore_mem>>)
      %dma_wait3A_183 = arith.constant 0 : i32
      %dma_wait3A_184 = arith.constant 0 : i32
      %dma_wait3A_185 = tpu.memref_slice %arg4[%add3A_134, %dma_wait3A_183, %dma_wait3A_184] : memref<128x256x96xf32, #tpu.memory_space<hbm>> -> memref<1x256x96xf32, #tpu.memory_space<hbm>>
      %dma_wait3A_186 = tpu.memref_squeeze %dma_wait3A_185 : memref<1x256x96xf32, #tpu.memory_space<hbm>> -> memref<256x96xf32, #tpu.memory_space<hbm>>
      %dma_wait3A_187 = arith.constant 0 : i32
      %dma_wait3A_188 = arith.constant 0 : i32
      %dma_wait3A_189 = tpu.memref_slice %arg4[%add3A_134, %dma_wait3A_187, %dma_wait3A_188] : memref<128x256x96xf32, #tpu.memory_space<hbm>> -> memref<1x256x96xf32, #tpu.memory_space<hbm>>
      %dma_wait3A_190 = tpu.memref_squeeze %dma_wait3A_189 : memref<1x256x96xf32, #tpu.memory_space<hbm>> -> memref<256x96xf32, #tpu.memory_space<hbm>>
      tpu.wait_dma2 semaphore(%run_scoped3A : memref<!tpu.dma_semaphore, #tpu.memory_space<semaphore_mem>>) src(%arg6 : memref<256x96xf32, #tpu.memory_space<vmem>>) dst(%dma_wait3A_190 : memref<256x96xf32, #tpu.memory_space<hbm>>)
      tpu.yield
    }) : () -> ()
    return
  }
}

module attributes {stable_mosaic.version = 14 : i64} {
  func.func @_body(%arg0: i32, %arg1: memref<2x1x96xf32, #tpu.memory_space<vmem>>, %arg2: memref<2x512x96xf32, #tpu.memory_space<vmem>>, %arg3: memref<2x512x96xf32, #tpu.memory_space<vmem>>, %arg4: memref<512x16xf32, #tpu.memory_space<vmem>>, %arg5: memref<512x16xf32, #tpu.memory_space<vmem>>, %arg6: memref<2x513x96xf32, #tpu.memory_space<vmem>>, %arg7: memref<2x256x1xi32, #tpu.memory_space<vmem>>) attributes {dimension_semantics = [#tpu.dimension_semantics<arbitrary>], iteration_bounds = array<i64: 64>, scalar_prefetch = 0 : i64, scratch_operands = 0 : i64, tpu.core_type = #tpu.core_type<tc>, window_params = [{transform_indices = @transform_0, window_bounds = array<i64: 2, 1, 96>}, {transform_indices = @transform_1, window_bounds = array<i64: 2, 512, 96>}, {transform_indices = @transform_2, window_bounds = array<i64: 2, 512, 96>}, {pipeline_mode = #tpu.pipeline_mode<synchronous>, transform_indices = @transform_3, window_bounds = array<i64: 512, 16>}, {pipeline_mode = #tpu.pipeline_mode<synchronous>, transform_indices = @transform_4, window_bounds = array<i64: 512, 16>}, {transform_indices = @transform_5, window_bounds = array<i64: 2, 513, 96>}, {transform_indices = @transform_6, window_bounds = array<i64: 2, 256, 1>}]} {
    %get3A = arith.constant 0 : index
    %get3A_0 = arith.constant 0 : index
    %get3A_1 = vector.load %arg4[%get3A, %get3A_0] : memref<512x16xf32, #tpu.memory_space<vmem>>, vector<512x16xf32>
    %get3A_2 = arith.constant 0 : index
    %get3A_3 = arith.constant 0 : index
    %get3A_4 = vector.load %arg5[%get3A_2, %get3A_3] : memref<512x16xf32, #tpu.memory_space<vmem>>, vector<512x16xf32>
    %mul3A = arith.constant 2 : i32
    %mul3A_5 = arith.muli %arg0, %mul3A : i32
    %add3A = arith.constant 0 : i32
    %add3A_6 = arith.addi %mul3A_5, %add3A : i32
    %get3A_7 = arith.constant 0 : index
    %get3A_8 = arith.constant 0 : index
    %get3A_9 = arith.constant 0 : index
    %get3A_10 = vector.load %arg1[%get3A_7, %get3A_8, %get3A_9] : memref<2x1x96xf32, #tpu.memory_space<vmem>>, vector<1x1x96xf32>
    %get3A_11 = vector.shape_cast %get3A_10 : vector<1x1x96xf32> to vector<1x96xf32>
    %get3A_12 = arith.constant 0 : index
    %get3A_13 = arith.constant 0 : index
    %get3A_14 = arith.constant 0 : index
    %get3A_15 = vector.load %arg2[%get3A_12, %get3A_13, %get3A_14] : memref<2x512x96xf32, #tpu.memory_space<vmem>>, vector<1x512x96xf32>
    %get3A_16 = vector.shape_cast %get3A_15 : vector<1x512x96xf32> to vector<512x96xf32>
    %get3A_17 = arith.constant 0 : index
    %get3A_18 = arith.constant 0 : index
    %get3A_19 = arith.constant 0 : index
    %get3A_20 = vector.load %arg3[%get3A_17, %get3A_18, %get3A_19] : memref<2x512x96xf32, #tpu.memory_space<vmem>>, vector<1x512x96xf32>
    %get3A_21 = vector.shape_cast %get3A_20 : vector<1x512x96xf32> to vector<512x96xf32>
    %dot_general3A = arith.constant dense<0.000000e+00> : vector<16x96xf32>
    %dot_general3A_22 = tpu.matmul %get3A_1, %get3A_16, %dot_general3A {dimension_numbers = #tpu.dot_dimension_numbers<[0], [0], [1], [1], [0, 1, 1, 1], [], []>, precision = #tpu.contract_precision<fp32>, transpose_lhs_hint = false} : vector<512x16xf32>, vector<512x96xf32>, vector<16x96xf32> -> vector<16x96xf32>
    %dot_general3A_23 = arith.constant dense<0.000000e+00> : vector<16x96xf32>
    %dot_general3A_24 = tpu.matmul %get3A_4, %get3A_21, %dot_general3A_23 {dimension_numbers = #tpu.dot_dimension_numbers<[0], [0], [1], [1], [0, 1, 1, 1], [], []>, precision = #tpu.contract_precision<fp32>, transpose_lhs_hint = false} : vector<512x16xf32>, vector<512x96xf32>, vector<16x96xf32> -> vector<16x96xf32>
    %add3A_25 = arith.addf %dot_general3A_22, %dot_general3A_24 : vector<16x96xf32>
    %dot_general3A_26 = arith.constant dense<0.000000e+00> : vector<512x96xf32>
    %dot_general3A_27 = tpu.matmul %get3A_1, %add3A_25, %dot_general3A_26 {dimension_numbers = #tpu.dot_dimension_numbers<[1], [0], [0], [1], [0, 0, 1, 1], [], []>, precision = #tpu.contract_precision<fp32>, transpose_lhs_hint = false} : vector<512x16xf32>, vector<16x96xf32>, vector<512x96xf32> -> vector<512x96xf32>
    %sub3A = arith.subf %get3A_16, %dot_general3A_27 : vector<512x96xf32>
    %dot_general3A_28 = arith.constant dense<0.000000e+00> : vector<512x96xf32>
    %dot_general3A_29 = tpu.matmul %get3A_4, %add3A_25, %dot_general3A_28 {dimension_numbers = #tpu.dot_dimension_numbers<[1], [0], [0], [1], [0, 0, 1, 1], [], []>, precision = #tpu.contract_precision<fp32>, transpose_lhs_hint = false} : vector<512x16xf32>, vector<16x96xf32>, vector<512x96xf32> -> vector<512x96xf32>
    %sub3A_30 = arith.subf %get3A_21, %dot_general3A_29 : vector<512x96xf32>
    %mul3A_31 = arith.mulf %sub3A, %sub3A : vector<512x96xf32>
    %reduce_sum3A = arith.constant dense<0.000000e+00> : vector<512xf32>
    %reduce_sum3A_32 = vector.multi_reduction <add>, %mul3A_31, %reduce_sum3A [1] : vector<512x96xf32> to vector<512xf32>
    %broadcast_in_dim3A = vector.shape_cast %reduce_sum3A_32 : vector<512xf32> to vector<512x1xf32>
    %sqrt3A = math.sqrt %broadcast_in_dim3A : vector<512x1xf32>
    %mul3A_33 = arith.mulf %sub3A_30, %sub3A_30 : vector<512x96xf32>
    %reduce_sum3A_34 = arith.constant dense<0.000000e+00> : vector<512xf32>
    %reduce_sum3A_35 = vector.multi_reduction <add>, %mul3A_33, %reduce_sum3A_34 [1] : vector<512x96xf32> to vector<512xf32>
    %broadcast_in_dim3A_36 = vector.shape_cast %reduce_sum3A_35 : vector<512xf32> to vector<512x1xf32>
    %sqrt3A_37 = math.sqrt %broadcast_in_dim3A_36 : vector<512x1xf32>
    %reduce_min3A = vector.shape_cast %sqrt3A : vector<512x1xf32> to vector<1x512x1xf32>
    %reduce_min3A_38 = arith.constant dense<0x7F800000> : vector<1xf32>
    %reduce_min3A_39 = vector.multi_reduction <minimumf>, %reduce_min3A, %reduce_min3A_38 [1, 2] : vector<1x512x1xf32> to vector<1xf32>
    %reduce_min3A_40 = vector.shape_cast %reduce_min3A_39 : vector<1xf32> to vector<1x1x1xf32>
    %reduce_min3A_41 = vector.extract %reduce_min3A_40[0, 0, 0] : f32 from vector<1x1x1xf32>
    %reduce_min3A_42 = vector.shape_cast %sqrt3A_37 : vector<512x1xf32> to vector<1x512x1xf32>
    %reduce_min3A_43 = arith.constant dense<0x7F800000> : vector<1xf32>
    %reduce_min3A_44 = vector.multi_reduction <minimumf>, %reduce_min3A_42, %reduce_min3A_43 [1, 2] : vector<1x512x1xf32> to vector<1xf32>
    %reduce_min3A_45 = vector.shape_cast %reduce_min3A_44 : vector<1xf32> to vector<1x1x1xf32>
    %reduce_min3A_46 = vector.extract %reduce_min3A_45[0, 0, 0] : f32 from vector<1x1x1xf32>
    %min3A = arith.minimumf %reduce_min3A_41, %reduce_min3A_46 : f32
    %reduce_max3A = vector.shape_cast %sqrt3A : vector<512x1xf32> to vector<1x512x1xf32>
    %reduce_max3A_47 = arith.constant dense<0xFF800000> : vector<1xf32>
    %reduce_max3A_48 = vector.multi_reduction <maximumf>, %reduce_max3A, %reduce_max3A_47 [1, 2] : vector<1x512x1xf32> to vector<1xf32>
    %reduce_max3A_49 = vector.shape_cast %reduce_max3A_48 : vector<1xf32> to vector<1x1x1xf32>
    %reduce_max3A_50 = vector.extract %reduce_max3A_49[0, 0, 0] : f32 from vector<1x1x1xf32>
    %reduce_max3A_51 = vector.shape_cast %sqrt3A_37 : vector<512x1xf32> to vector<1x512x1xf32>
    %reduce_max3A_52 = arith.constant dense<0xFF800000> : vector<1xf32>
    %reduce_max3A_53 = vector.multi_reduction <maximumf>, %reduce_max3A_51, %reduce_max3A_52 [1, 2] : vector<1x512x1xf32> to vector<1xf32>
    %reduce_max3A_54 = vector.shape_cast %reduce_max3A_53 : vector<1xf32> to vector<1x1x1xf32>
    %reduce_max3A_55 = vector.extract %reduce_max3A_54[0, 0, 0] : f32 from vector<1x1x1xf32>
    %max3A = arith.maximumf %reduce_max3A_50, %reduce_max3A_55 : f32
    %sub3A_56 = arith.subf %max3A, %min3A : f32
    %add3A_57 = arith.constant 9.99999997E-7 : f32
    %add3A_58 = arith.addf %sub3A_56, %add3A_57 : f32
    %div3A = arith.constant 1.000000e+00 : f32
    %div3A_59 = arith.divf %div3A, %add3A_58 : f32
    %sub3A_60 = vector.broadcast %min3A : f32 to vector<512x1xf32>
    %sub3A_61 = arith.subf %sqrt3A, %sub3A_60 : vector<512x1xf32>
    %mul3A_62 = vector.broadcast %div3A_59 : f32 to vector<512x1xf32>
    %mul3A_63 = arith.mulf %sub3A_61, %mul3A_62 : vector<512x1xf32>
    %sub3A_64 = vector.broadcast %min3A : f32 to vector<512x1xf32>
    %sub3A_65 = arith.subf %sqrt3A_37, %sub3A_64 : vector<512x1xf32>
    %mul3A_66 = vector.broadcast %div3A_59 : f32 to vector<512x1xf32>
    %mul3A_67 = arith.mulf %sub3A_65, %mul3A_66 : vector<512x1xf32>
    %transpose3A = tpu.transpose %mul3A_63, [1, 0] : vector<512x1xf32> -> vector<1x512xf32>
    %mul3A_68 = arith.mulf %get3A_16, %get3A_16 : vector<512x96xf32>
    %reduce_sum3A_69 = arith.constant dense<0.000000e+00> : vector<512xf32>
    %reduce_sum3A_70 = vector.multi_reduction <add>, %mul3A_68, %reduce_sum3A_69 [1] : vector<512x96xf32> to vector<512xf32>
    %broadcast_in_dim3A_71 = vector.shape_cast %reduce_sum3A_70 : vector<512xf32> to vector<512x1xf32>
    %sqrt3A_72 = math.sqrt %broadcast_in_dim3A_71 : vector<512x1xf32>
    %max3A_73 = arith.constant 9.99999996E-13 : f32
    %max3A_74 = vector.broadcast %max3A_73 : f32 to vector<512x1xf32>
    %max3A_75 = arith.maximumf %sqrt3A_72, %max3A_74 : vector<512x1xf32>
    %div3A_76 = vector.broadcast %max3A_75 : vector<512x1xf32> to vector<512x96xf32>
    %div3A_77 = arith.divf %get3A_16, %div3A_76 : vector<512x96xf32>
    %mul3A_78 = arith.mulf %get3A_21, %get3A_21 : vector<512x96xf32>
    %reduce_sum3A_79 = arith.constant dense<0.000000e+00> : vector<512xf32>
    %reduce_sum3A_80 = vector.multi_reduction <add>, %mul3A_78, %reduce_sum3A_79 [1] : vector<512x96xf32> to vector<512xf32>
    %broadcast_in_dim3A_81 = vector.shape_cast %reduce_sum3A_80 : vector<512xf32> to vector<512x1xf32>
    %sqrt3A_82 = math.sqrt %broadcast_in_dim3A_81 : vector<512x1xf32>
    %max3A_83 = arith.constant 9.99999996E-13 : f32
    %max3A_84 = vector.broadcast %max3A_83 : f32 to vector<512x1xf32>
    %max3A_85 = arith.maximumf %sqrt3A_82, %max3A_84 : vector<512x1xf32>
    %div3A_86 = vector.broadcast %max3A_85 : vector<512x1xf32> to vector<512x96xf32>
    %div3A_87 = arith.divf %get3A_21, %div3A_86 : vector<512x96xf32>
    %iota3A = tpu.iota {dimensions = array<i32: 1>} : vector<128x512xi32>
    %slice3A = vector.extract_strided_slice %div3A_87 {offsets = [0, 0], sizes = [128, 96], strides = [1, 1]} : vector<512x96xf32> to vector<128x96xf32>
    %dot_general3A_88 = arith.constant dense<0.000000e+00> : vector<128x512xf32>
    %dot_general3A_89 = tpu.matmul %slice3A, %div3A_77, %dot_general3A_88 {dimension_numbers = #tpu.dot_dimension_numbers<[1], [1], [0], [0], [0, 0, 1, 0], [], []>, transpose_lhs_hint = false} : vector<128x96xf32>, vector<512x96xf32>, vector<128x512xf32> -> vector<128x512xf32>
    %slice3A_90 = vector.extract_strided_slice %mul3A_67 {offsets = [0, 0], sizes = [128, 1], strides = [1, 1]} : vector<512x1xf32> to vector<128x1xf32>
    %max3A_91 = vector.broadcast %slice3A_90 : vector<128x1xf32> to vector<128x512xf32>
    %max3A_92 = vector.broadcast %transpose3A : vector<1x512xf32> to vector<128x512xf32>
    %max3A_93 = arith.maximumf %max3A_91, %max3A_92 : vector<128x512xf32>
    %mul3A_94 = arith.constant 0.699999988 : f32
    %mul3A_95 = vector.broadcast %mul3A_94 : f32 to vector<128x512xf32>
    %mul3A_96 = arith.mulf %mul3A_95, %max3A_93 : vector<128x512xf32>
    %sub3A_97 = arith.constant 1.000000e+00 : f32
    %sub3A_98 = vector.broadcast %sub3A_97 : f32 to vector<128x512xf32>
    %sub3A_99 = arith.subf %sub3A_98, %mul3A_96 : vector<128x512xf32>
    %mul3A_100 = arith.mulf %dot_general3A_89, %sub3A_99 : vector<128x512xf32>
    %reduce_max3A_101 = arith.constant dense<0xFF800000> : vector<128xf32>
    %reduce_max3A_102 = vector.multi_reduction <maximumf>, %mul3A_100, %reduce_max3A_101 [1] : vector<128x512xf32> to vector<128xf32>
    %broadcast_in_dim3A_103 = vector.shape_cast %reduce_max3A_102 : vector<128xf32> to vector<128x1xf32>
    %eq3A = vector.broadcast %broadcast_in_dim3A_103 : vector<128x1xf32> to vector<128x512xf32>
    %eq3A_104 = arith.cmpf oeq, %mul3A_100, %eq3A : vector<128x512xf32>
    %jit3A = arith.constant 512 : i32
    %broadcast_in_dim3A_105 = vector.broadcast %jit3A : i32 to vector<128x512xi32>
    %select_n3A = arith.select %eq3A_104, %iota3A, %broadcast_in_dim3A_105 : vector<128x512xi1>, vector<128x512xi32>
    %reduce_min3A_106 = arith.constant dense<2147483647> : vector<128xi32>
    %reduce_min3A_107 = vector.multi_reduction <minsi>, %select_n3A, %reduce_min3A_106 [1] : vector<128x512xi32> to vector<128xi32>
    %broadcast_in_dim3A_108 = vector.shape_cast %reduce_min3A_107 : vector<128xi32> to vector<128x1xi32>
    %slice3A_109 = vector.extract_strided_slice %div3A_87 {offsets = [128, 0], sizes = [128, 96], strides = [1, 1]} : vector<512x96xf32> to vector<128x96xf32>
    %dot_general3A_110 = arith.constant dense<0.000000e+00> : vector<128x512xf32>
    %dot_general3A_111 = tpu.matmul %slice3A_109, %div3A_77, %dot_general3A_110 {dimension_numbers = #tpu.dot_dimension_numbers<[1], [1], [0], [0], [0, 0, 1, 0], [], []>, transpose_lhs_hint = false} : vector<128x96xf32>, vector<512x96xf32>, vector<128x512xf32> -> vector<128x512xf32>
    %slice3A_112 = vector.extract_strided_slice %mul3A_67 {offsets = [128, 0], sizes = [128, 1], strides = [1, 1]} : vector<512x1xf32> to vector<128x1xf32>
    %max3A_113 = vector.broadcast %slice3A_112 : vector<128x1xf32> to vector<128x512xf32>
    %max3A_114 = vector.broadcast %transpose3A : vector<1x512xf32> to vector<128x512xf32>
    %max3A_115 = arith.maximumf %max3A_113, %max3A_114 : vector<128x512xf32>
    %mul3A_116 = arith.constant 0.699999988 : f32
    %mul3A_117 = vector.broadcast %mul3A_116 : f32 to vector<128x512xf32>
    %mul3A_118 = arith.mulf %mul3A_117, %max3A_115 : vector<128x512xf32>
    %sub3A_119 = arith.constant 1.000000e+00 : f32
    %sub3A_120 = vector.broadcast %sub3A_119 : f32 to vector<128x512xf32>
    %sub3A_121 = arith.subf %sub3A_120, %mul3A_118 : vector<128x512xf32>
    %mul3A_122 = arith.mulf %dot_general3A_111, %sub3A_121 : vector<128x512xf32>
    %reduce_max3A_123 = arith.constant dense<0xFF800000> : vector<128xf32>
    %reduce_max3A_124 = vector.multi_reduction <maximumf>, %mul3A_122, %reduce_max3A_123 [1] : vector<128x512xf32> to vector<128xf32>
    %broadcast_in_dim3A_125 = vector.shape_cast %reduce_max3A_124 : vector<128xf32> to vector<128x1xf32>
    %eq3A_126 = vector.broadcast %broadcast_in_dim3A_125 : vector<128x1xf32> to vector<128x512xf32>
    %eq3A_127 = arith.cmpf oeq, %mul3A_122, %eq3A_126 : vector<128x512xf32>
    %jit3A_128 = arith.constant 512 : i32
    %broadcast_in_dim3A_129 = vector.broadcast %jit3A_128 : i32 to vector<128x512xi32>
    %select_n3A_130 = arith.select %eq3A_127, %iota3A, %broadcast_in_dim3A_129 : vector<128x512xi1>, vector<128x512xi32>
    %reduce_min3A_131 = arith.constant dense<2147483647> : vector<128xi32>
    %reduce_min3A_132 = vector.multi_reduction <minsi>, %select_n3A_130, %reduce_min3A_131 [1] : vector<128x512xi32> to vector<128xi32>
    %broadcast_in_dim3A_133 = vector.shape_cast %reduce_min3A_132 : vector<128xi32> to vector<128x1xi32>
    %slice3A_134 = vector.extract_strided_slice %div3A_87 {offsets = [256, 0], sizes = [128, 96], strides = [1, 1]} : vector<512x96xf32> to vector<128x96xf32>
    %dot_general3A_135 = arith.constant dense<0.000000e+00> : vector<128x512xf32>
    %dot_general3A_136 = tpu.matmul %slice3A_134, %div3A_77, %dot_general3A_135 {dimension_numbers = #tpu.dot_dimension_numbers<[1], [1], [0], [0], [0, 0, 1, 0], [], []>, transpose_lhs_hint = false} : vector<128x96xf32>, vector<512x96xf32>, vector<128x512xf32> -> vector<128x512xf32>
    %slice3A_137 = vector.extract_strided_slice %mul3A_67 {offsets = [256, 0], sizes = [128, 1], strides = [1, 1]} : vector<512x1xf32> to vector<128x1xf32>
    %max3A_138 = vector.broadcast %slice3A_137 : vector<128x1xf32> to vector<128x512xf32>
    %max3A_139 = vector.broadcast %transpose3A : vector<1x512xf32> to vector<128x512xf32>
    %max3A_140 = arith.maximumf %max3A_138, %max3A_139 : vector<128x512xf32>
    %mul3A_141 = arith.constant 0.699999988 : f32
    %mul3A_142 = vector.broadcast %mul3A_141 : f32 to vector<128x512xf32>
    %mul3A_143 = arith.mulf %mul3A_142, %max3A_140 : vector<128x512xf32>
    %sub3A_144 = arith.constant 1.000000e+00 : f32
    %sub3A_145 = vector.broadcast %sub3A_144 : f32 to vector<128x512xf32>
    %sub3A_146 = arith.subf %sub3A_145, %mul3A_143 : vector<128x512xf32>
    %mul3A_147 = arith.mulf %dot_general3A_136, %sub3A_146 : vector<128x512xf32>
    %reduce_max3A_148 = arith.constant dense<0xFF800000> : vector<128xf32>
    %reduce_max3A_149 = vector.multi_reduction <maximumf>, %mul3A_147, %reduce_max3A_148 [1] : vector<128x512xf32> to vector<128xf32>
    %broadcast_in_dim3A_150 = vector.shape_cast %reduce_max3A_149 : vector<128xf32> to vector<128x1xf32>
    %eq3A_151 = vector.broadcast %broadcast_in_dim3A_150 : vector<128x1xf32> to vector<128x512xf32>
    %eq3A_152 = arith.cmpf oeq, %mul3A_147, %eq3A_151 : vector<128x512xf32>
    %jit3A_153 = arith.constant 512 : i32
    %broadcast_in_dim3A_154 = vector.broadcast %jit3A_153 : i32 to vector<128x512xi32>
    %select_n3A_155 = arith.select %eq3A_152, %iota3A, %broadcast_in_dim3A_154 : vector<128x512xi1>, vector<128x512xi32>
    %reduce_min3A_156 = arith.constant dense<2147483647> : vector<128xi32>
    %reduce_min3A_157 = vector.multi_reduction <minsi>, %select_n3A_155, %reduce_min3A_156 [1] : vector<128x512xi32> to vector<128xi32>
    %broadcast_in_dim3A_158 = vector.shape_cast %reduce_min3A_157 : vector<128xi32> to vector<128x1xi32>
    %slice3A_159 = vector.extract_strided_slice %div3A_87 {offsets = [384, 0], sizes = [128, 96], strides = [1, 1]} : vector<512x96xf32> to vector<128x96xf32>
    %dot_general3A_160 = arith.constant dense<0.000000e+00> : vector<128x512xf32>
    %dot_general3A_161 = tpu.matmul %slice3A_159, %div3A_77, %dot_general3A_160 {dimension_numbers = #tpu.dot_dimension_numbers<[1], [1], [0], [0], [0, 0, 1, 0], [], []>, transpose_lhs_hint = false} : vector<128x96xf32>, vector<512x96xf32>, vector<128x512xf32> -> vector<128x512xf32>
    %slice3A_162 = vector.extract_strided_slice %mul3A_67 {offsets = [384, 0], sizes = [128, 1], strides = [1, 1]} : vector<512x1xf32> to vector<128x1xf32>
    %max3A_163 = vector.broadcast %slice3A_162 : vector<128x1xf32> to vector<128x512xf32>
    %max3A_164 = vector.broadcast %transpose3A : vector<1x512xf32> to vector<128x512xf32>
    %max3A_165 = arith.maximumf %max3A_163, %max3A_164 : vector<128x512xf32>
    %mul3A_166 = arith.constant 0.699999988 : f32
    %mul3A_167 = vector.broadcast %mul3A_166 : f32 to vector<128x512xf32>
    %mul3A_168 = arith.mulf %mul3A_167, %max3A_165 : vector<128x512xf32>
    %sub3A_169 = arith.constant 1.000000e+00 : f32
    %sub3A_170 = vector.broadcast %sub3A_169 : f32 to vector<128x512xf32>
    %sub3A_171 = arith.subf %sub3A_170, %mul3A_168 : vector<128x512xf32>
    %mul3A_172 = arith.mulf %dot_general3A_161, %sub3A_171 : vector<128x512xf32>
    %reduce_max3A_173 = arith.constant dense<0xFF800000> : vector<128xf32>
    %reduce_max3A_174 = vector.multi_reduction <maximumf>, %mul3A_172, %reduce_max3A_173 [1] : vector<128x512xf32> to vector<128xf32>
    %broadcast_in_dim3A_175 = vector.shape_cast %reduce_max3A_174 : vector<128xf32> to vector<128x1xf32>
    %eq3A_176 = vector.broadcast %broadcast_in_dim3A_175 : vector<128x1xf32> to vector<128x512xf32>
    %eq3A_177 = arith.cmpf oeq, %mul3A_172, %eq3A_176 : vector<128x512xf32>
    %jit3A_178 = arith.constant 512 : i32
    %broadcast_in_dim3A_179 = vector.broadcast %jit3A_178 : i32 to vector<128x512xi32>
    %select_n3A_180 = arith.select %eq3A_177, %iota3A, %broadcast_in_dim3A_179 : vector<128x512xi1>, vector<128x512xi32>
    %reduce_min3A_181 = arith.constant dense<2147483647> : vector<128xi32>
    %reduce_min3A_182 = vector.multi_reduction <minsi>, %select_n3A_180, %reduce_min3A_181 [1] : vector<128x512xi32> to vector<128xi32>
    %broadcast_in_dim3A_183 = vector.shape_cast %reduce_min3A_182 : vector<128xi32> to vector<128x1xi32>
    %concatenate3A = tpu.concatenate %broadcast_in_dim3A_103, %broadcast_in_dim3A_125, %broadcast_in_dim3A_150, %broadcast_in_dim3A_175 in 0 : vector<128x1xf32>, vector<128x1xf32>, vector<128x1xf32>, vector<128x1xf32> -> vector<512x1xf32>
    %concatenate3A_184 = tpu.concatenate %broadcast_in_dim3A_108, %broadcast_in_dim3A_133, %broadcast_in_dim3A_158, %broadcast_in_dim3A_183 in 0 : vector<128x1xi32>, vector<128x1xi32>, vector<128x1xi32>, vector<128x1xi32> -> vector<512x1xi32>
    %transpose3A_185 = tpu.transpose %concatenate3A, [1, 0] : vector<512x1xf32> -> vector<1x512xf32>
    %iota3A_186 = tpu.iota {dimensions = array<i32: 0>} : vector<512x128xi32>
    %iota3A_187 = tpu.iota {dimensions = array<i32: 1>} : vector<512x128xi32>
    %broadcast_in_dim3A_188 = arith.constant 0.000000e+00 : f32
    %broadcast_in_dim3A_189 = vector.broadcast %broadcast_in_dim3A_188 : f32 to vector<512x1xf32>
    %slice3A_190 = vector.extract_strided_slice %transpose3A_185 {offsets = [0, 0], sizes = [1, 128], strides = [1, 1]} : vector<1x512xf32> to vector<1x128xf32>
    %gt3A = vector.broadcast %slice3A_190 : vector<1x128xf32> to vector<512x128xf32>
    %gt3A_191 = vector.broadcast %concatenate3A : vector<512x1xf32> to vector<512x128xf32>
    %gt3A_192 = arith.cmpf ogt, %gt3A, %gt3A_191 : vector<512x128xf32>
    %eq3A_193 = vector.broadcast %slice3A_190 : vector<1x128xf32> to vector<512x128xf32>
    %eq3A_194 = vector.broadcast %concatenate3A : vector<512x1xf32> to vector<512x128xf32>
    %eq3A_195 = arith.cmpf oeq, %eq3A_193, %eq3A_194 : vector<512x128xf32>
    %add3A_196 = arith.constant 0 : i32
    %add3A_197 = vector.broadcast %add3A_196 : i32 to vector<512x128xi32>
    %add3A_198 = arith.addi %add3A_197, %iota3A_187 : vector<512x128xi32>
    %lt3A = arith.cmpi slt, %add3A_198, %iota3A_186 : vector<512x128xi32>
    %and3A = arith.andi %eq3A_195, %lt3A : vector<512x128xi1>
    %or3A = arith.ori %gt3A_192, %and3A : vector<512x128xi1>
    %convert_element_type3A = arith.extui %or3A : vector<512x128xi1> to vector<512x128xi32>
    %convert_element_type3A_199 = arith.sitofp %convert_element_type3A : vector<512x128xi32> to vector<512x128xf32>
    %reduce_sum3A_200 = arith.constant dense<0.000000e+00> : vector<512xf32>
    %reduce_sum3A_201 = vector.multi_reduction <add>, %convert_element_type3A_199, %reduce_sum3A_200 [1] : vector<512x128xf32> to vector<512xf32>
    %broadcast_in_dim3A_202 = vector.shape_cast %reduce_sum3A_201 : vector<512xf32> to vector<512x1xf32>
    %add3A_203 = arith.addf %broadcast_in_dim3A_189, %broadcast_in_dim3A_202 : vector<512x1xf32>
    %slice3A_204 = vector.extract_strided_slice %transpose3A_185 {offsets = [0, 128], sizes = [1, 128], strides = [1, 1]} : vector<1x512xf32> to vector<1x128xf32>
    %gt3A_205 = vector.broadcast %slice3A_204 : vector<1x128xf32> to vector<512x128xf32>
    %gt3A_206 = vector.broadcast %concatenate3A : vector<512x1xf32> to vector<512x128xf32>
    %gt3A_207 = arith.cmpf ogt, %gt3A_205, %gt3A_206 : vector<512x128xf32>
    %eq3A_208 = vector.broadcast %slice3A_204 : vector<1x128xf32> to vector<512x128xf32>
    %eq3A_209 = vector.broadcast %concatenate3A : vector<512x1xf32> to vector<512x128xf32>
    %eq3A_210 = arith.cmpf oeq, %eq3A_208, %eq3A_209 : vector<512x128xf32>
    %add3A_211 = arith.constant 128 : i32
    %add3A_212 = vector.broadcast %add3A_211 : i32 to vector<512x128xi32>
    %add3A_213 = arith.addi %add3A_212, %iota3A_187 : vector<512x128xi32>
    %lt3A_214 = arith.cmpi slt, %add3A_213, %iota3A_186 : vector<512x128xi32>
    %and3A_215 = arith.andi %eq3A_210, %lt3A_214 : vector<512x128xi1>
    %or3A_216 = arith.ori %gt3A_207, %and3A_215 : vector<512x128xi1>
    %convert_element_type3A_217 = arith.extui %or3A_216 : vector<512x128xi1> to vector<512x128xi32>
    %convert_element_type3A_218 = arith.sitofp %convert_element_type3A_217 : vector<512x128xi32> to vector<512x128xf32>
    %reduce_sum3A_219 = arith.constant dense<0.000000e+00> : vector<512xf32>
    %reduce_sum3A_220 = vector.multi_reduction <add>, %convert_element_type3A_218, %reduce_sum3A_219 [1] : vector<512x128xf32> to vector<512xf32>
    %broadcast_in_dim3A_221 = vector.shape_cast %reduce_sum3A_220 : vector<512xf32> to vector<512x1xf32>
    %add3A_222 = arith.addf %add3A_203, %broadcast_in_dim3A_221 : vector<512x1xf32>
    %slice3A_223 = vector.extract_strided_slice %transpose3A_185 {offsets = [0, 256], sizes = [1, 128], strides = [1, 1]} : vector<1x512xf32> to vector<1x128xf32>
    %gt3A_224 = vector.broadcast %slice3A_223 : vector<1x128xf32> to vector<512x128xf32>
    %gt3A_225 = vector.broadcast %concatenate3A : vector<512x1xf32> to vector<512x128xf32>
    %gt3A_226 = arith.cmpf ogt, %gt3A_224, %gt3A_225 : vector<512x128xf32>
    %eq3A_227 = vector.broadcast %slice3A_223 : vector<1x128xf32> to vector<512x128xf32>
    %eq3A_228 = vector.broadcast %concatenate3A : vector<512x1xf32> to vector<512x128xf32>
    %eq3A_229 = arith.cmpf oeq, %eq3A_227, %eq3A_228 : vector<512x128xf32>
    %add3A_230 = arith.constant 256 : i32
    %add3A_231 = vector.broadcast %add3A_230 : i32 to vector<512x128xi32>
    %add3A_232 = arith.addi %add3A_231, %iota3A_187 : vector<512x128xi32>
    %lt3A_233 = arith.cmpi slt, %add3A_232, %iota3A_186 : vector<512x128xi32>
    %and3A_234 = arith.andi %eq3A_229, %lt3A_233 : vector<512x128xi1>
    %or3A_235 = arith.ori %gt3A_226, %and3A_234 : vector<512x128xi1>
    %convert_element_type3A_236 = arith.extui %or3A_235 : vector<512x128xi1> to vector<512x128xi32>
    %convert_element_type3A_237 = arith.sitofp %convert_element_type3A_236 : vector<512x128xi32> to vector<512x128xf32>
    %reduce_sum3A_238 = arith.constant dense<0.000000e+00> : vector<512xf32>
    %reduce_sum3A_239 = vector.multi_reduction <add>, %convert_element_type3A_237, %reduce_sum3A_238 [1] : vector<512x128xf32> to vector<512xf32>
    %broadcast_in_dim3A_240 = vector.shape_cast %reduce_sum3A_239 : vector<512xf32> to vector<512x1xf32>
    %add3A_241 = arith.addf %add3A_222, %broadcast_in_dim3A_240 : vector<512x1xf32>
    %slice3A_242 = vector.extract_strided_slice %transpose3A_185 {offsets = [0, 384], sizes = [1, 128], strides = [1, 1]} : vector<1x512xf32> to vector<1x128xf32>
    %gt3A_243 = vector.broadcast %slice3A_242 : vector<1x128xf32> to vector<512x128xf32>
    %gt3A_244 = vector.broadcast %concatenate3A : vector<512x1xf32> to vector<512x128xf32>
    %gt3A_245 = arith.cmpf ogt, %gt3A_243, %gt3A_244 : vector<512x128xf32>
    %eq3A_246 = vector.broadcast %slice3A_242 : vector<1x128xf32> to vector<512x128xf32>
    %eq3A_247 = vector.broadcast %concatenate3A : vector<512x1xf32> to vector<512x128xf32>
    %eq3A_248 = arith.cmpf oeq, %eq3A_246, %eq3A_247 : vector<512x128xf32>
    %add3A_249 = arith.constant 384 : i32
    %add3A_250 = vector.broadcast %add3A_249 : i32 to vector<512x128xi32>
    %add3A_251 = arith.addi %add3A_250, %iota3A_187 : vector<512x128xi32>
    %lt3A_252 = arith.cmpi slt, %add3A_251, %iota3A_186 : vector<512x128xi32>
    %and3A_253 = arith.andi %eq3A_248, %lt3A_252 : vector<512x128xi1>
    %or3A_254 = arith.ori %gt3A_245, %and3A_253 : vector<512x128xi1>
    %convert_element_type3A_255 = arith.extui %or3A_254 : vector<512x128xi1> to vector<512x128xi32>
    %convert_element_type3A_256 = arith.sitofp %convert_element_type3A_255 : vector<512x128xi32> to vector<512x128xf32>
    %reduce_sum3A_257 = arith.constant dense<0.000000e+00> : vector<512xf32>
    %reduce_sum3A_258 = vector.multi_reduction <add>, %convert_element_type3A_256, %reduce_sum3A_257 [1] : vector<512x128xf32> to vector<512xf32>
    %broadcast_in_dim3A_259 = vector.shape_cast %reduce_sum3A_258 : vector<512xf32> to vector<512x1xf32>
    %add3A_260 = arith.addf %add3A_241, %broadcast_in_dim3A_259 : vector<512x1xf32>
    %lt3A_261 = arith.constant 3.065000e+02 : f32
    %lt3A_262 = vector.broadcast %lt3A_261 : f32 to vector<512x1xf32>
    %lt3A_263 = arith.cmpf olt, %add3A_260, %lt3A_262 : vector<512x1xf32>
    %convert_element_type3A_264 = arith.extui %lt3A_263 : vector<512x1xi1> to vector<512x1xi32>
    %convert_element_type3A_265 = arith.sitofp %convert_element_type3A_264 : vector<512x1xi32> to vector<512x1xf32>
    %transpose3A_266 = tpu.transpose %convert_element_type3A_265, [1, 0] : vector<512x1xf32> -> vector<1x512xf32>
    %sub3A_267 = arith.constant 1.000000e+00 : f32
    %sub3A_268 = vector.broadcast %sub3A_267 : f32 to vector<1x512xf32>
    %sub3A_269 = arith.subf %sub3A_268, %transpose3A_266 : vector<1x512xf32>
    %broadcast_in_dim3A_270 = arith.constant 0.000000e+00 : f32
    %broadcast_in_dim3A_271 = vector.broadcast %broadcast_in_dim3A_270 : f32 to vector<512x96xf32>
    %broadcast_in_dim3A_272 = arith.constant 0.000000e+00 : f32
    %broadcast_in_dim3A_273 = vector.broadcast %broadcast_in_dim3A_272 : f32 to vector<1x512xf32>
    %slice3A_274 = vector.extract_strided_slice %concatenate3A_184 {offsets = [0, 0], sizes = [128, 1], strides = [1, 1]} : vector<512x1xi32> to vector<128x1xi32>
    %eq3A_275 = vector.broadcast %slice3A_274 : vector<128x1xi32> to vector<128x512xi32>
    %eq3A_276 = arith.cmpi eq, %eq3A_275, %iota3A : vector<128x512xi32>
    %slice3A_277 = vector.extract_strided_slice %convert_element_type3A_265 {offsets = [0, 0], sizes = [128, 1], strides = [1, 1]} : vector<512x1xf32> to vector<128x1xf32>
    %jit3A_278 = arith.constant 0.000000e+00 : f32
    %broadcast_in_dim3A_279 = vector.shape_cast %slice3A_277 : vector<128x1xf32> to vector<128x1xf32>
    %broadcast_in_dim3A_280 = vector.broadcast %broadcast_in_dim3A_279 : vector<128x1xf32> to vector<128x512xf32>
    %broadcast_in_dim3A_281 = vector.broadcast %jit3A_278 : f32 to vector<128x512xf32>
    %select_n3A_282 = arith.select %eq3A_276, %broadcast_in_dim3A_280, %broadcast_in_dim3A_281 : vector<128x512xi1>, vector<128x512xf32>
    %slice3A_283 = vector.extract_strided_slice %get3A_21 {offsets = [0, 0], sizes = [128, 96], strides = [1, 1]} : vector<512x96xf32> to vector<128x96xf32>
    %dot_general3A_284 = arith.constant dense<0.000000e+00> : vector<512x96xf32>
    %dot_general3A_285 = tpu.matmul %select_n3A_282, %slice3A_283, %dot_general3A_284 {dimension_numbers = #tpu.dot_dimension_numbers<[0], [0], [1], [1], [0, 1, 1, 1], [], []>, precision = #tpu.contract_precision<fp32>, transpose_lhs_hint = false} : vector<128x512xf32>, vector<128x96xf32>, vector<512x96xf32> -> vector<512x96xf32>
    %add3A_286 = arith.addf %broadcast_in_dim3A_271, %dot_general3A_285 : vector<512x96xf32>
    %reduce_sum3A_287 = arith.constant dense<0.000000e+00> : vector<512xf32>
    %reduce_sum3A_288 = vector.multi_reduction <add>, %select_n3A_282, %reduce_sum3A_287 [0] : vector<128x512xf32> to vector<512xf32>
    %broadcast_in_dim3A_289 = vector.shape_cast %reduce_sum3A_288 : vector<512xf32> to vector<1x512xf32>
    %add3A_290 = arith.addf %broadcast_in_dim3A_273, %broadcast_in_dim3A_289 : vector<1x512xf32>
    %slice3A_291 = vector.extract_strided_slice %concatenate3A_184 {offsets = [128, 0], sizes = [128, 1], strides = [1, 1]} : vector<512x1xi32> to vector<128x1xi32>
    %eq3A_292 = vector.broadcast %slice3A_291 : vector<128x1xi32> to vector<128x512xi32>
    %eq3A_293 = arith.cmpi eq, %eq3A_292, %iota3A : vector<128x512xi32>
    %slice3A_294 = vector.extract_strided_slice %convert_element_type3A_265 {offsets = [128, 0], sizes = [128, 1], strides = [1, 1]} : vector<512x1xf32> to vector<128x1xf32>
    %jit3A_295 = arith.constant 0.000000e+00 : f32
    %broadcast_in_dim3A_296 = vector.shape_cast %slice3A_294 : vector<128x1xf32> to vector<128x1xf32>
    %broadcast_in_dim3A_297 = vector.broadcast %broadcast_in_dim3A_296 : vector<128x1xf32> to vector<128x512xf32>
    %broadcast_in_dim3A_298 = vector.broadcast %jit3A_295 : f32 to vector<128x512xf32>
    %select_n3A_299 = arith.select %eq3A_293, %broadcast_in_dim3A_297, %broadcast_in_dim3A_298 : vector<128x512xi1>, vector<128x512xf32>
    %slice3A_300 = vector.extract_strided_slice %get3A_21 {offsets = [128, 0], sizes = [128, 96], strides = [1, 1]} : vector<512x96xf32> to vector<128x96xf32>
    %dot_general3A_301 = arith.constant dense<0.000000e+00> : vector<512x96xf32>
    %dot_general3A_302 = tpu.matmul %select_n3A_299, %slice3A_300, %dot_general3A_301 {dimension_numbers = #tpu.dot_dimension_numbers<[0], [0], [1], [1], [0, 1, 1, 1], [], []>, precision = #tpu.contract_precision<fp32>, transpose_lhs_hint = false} : vector<128x512xf32>, vector<128x96xf32>, vector<512x96xf32> -> vector<512x96xf32>
    %add3A_303 = arith.addf %add3A_286, %dot_general3A_302 : vector<512x96xf32>
    %reduce_sum3A_304 = arith.constant dense<0.000000e+00> : vector<512xf32>
    %reduce_sum3A_305 = vector.multi_reduction <add>, %select_n3A_299, %reduce_sum3A_304 [0] : vector<128x512xf32> to vector<512xf32>
    %broadcast_in_dim3A_306 = vector.shape_cast %reduce_sum3A_305 : vector<512xf32> to vector<1x512xf32>
    %add3A_307 = arith.addf %add3A_290, %broadcast_in_dim3A_306 : vector<1x512xf32>
    %slice3A_308 = vector.extract_strided_slice %concatenate3A_184 {offsets = [256, 0], sizes = [128, 1], strides = [1, 1]} : vector<512x1xi32> to vector<128x1xi32>
    %eq3A_309 = vector.broadcast %slice3A_308 : vector<128x1xi32> to vector<128x512xi32>
    %eq3A_310 = arith.cmpi eq, %eq3A_309, %iota3A : vector<128x512xi32>
    %slice3A_311 = vector.extract_strided_slice %convert_element_type3A_265 {offsets = [256, 0], sizes = [128, 1], strides = [1, 1]} : vector<512x1xf32> to vector<128x1xf32>
    %jit3A_312 = arith.constant 0.000000e+00 : f32
    %broadcast_in_dim3A_313 = vector.shape_cast %slice3A_311 : vector<128x1xf32> to vector<128x1xf32>
    %broadcast_in_dim3A_314 = vector.broadcast %broadcast_in_dim3A_313 : vector<128x1xf32> to vector<128x512xf32>
    %broadcast_in_dim3A_315 = vector.broadcast %jit3A_312 : f32 to vector<128x512xf32>
    %select_n3A_316 = arith.select %eq3A_310, %broadcast_in_dim3A_314, %broadcast_in_dim3A_315 : vector<128x512xi1>, vector<128x512xf32>
    %slice3A_317 = vector.extract_strided_slice %get3A_21 {offsets = [256, 0], sizes = [128, 96], strides = [1, 1]} : vector<512x96xf32> to vector<128x96xf32>
    %dot_general3A_318 = arith.constant dense<0.000000e+00> : vector<512x96xf32>
    %dot_general3A_319 = tpu.matmul %select_n3A_316, %slice3A_317, %dot_general3A_318 {dimension_numbers = #tpu.dot_dimension_numbers<[0], [0], [1], [1], [0, 1, 1, 1], [], []>, precision = #tpu.contract_precision<fp32>, transpose_lhs_hint = false} : vector<128x512xf32>, vector<128x96xf32>, vector<512x96xf32> -> vector<512x96xf32>
    %add3A_320 = arith.addf %add3A_303, %dot_general3A_319 : vector<512x96xf32>
    %reduce_sum3A_321 = arith.constant dense<0.000000e+00> : vector<512xf32>
    %reduce_sum3A_322 = vector.multi_reduction <add>, %select_n3A_316, %reduce_sum3A_321 [0] : vector<128x512xf32> to vector<512xf32>
    %broadcast_in_dim3A_323 = vector.shape_cast %reduce_sum3A_322 : vector<512xf32> to vector<1x512xf32>
    %add3A_324 = arith.addf %add3A_307, %broadcast_in_dim3A_323 : vector<1x512xf32>
    %slice3A_325 = vector.extract_strided_slice %concatenate3A_184 {offsets = [384, 0], sizes = [128, 1], strides = [1, 1]} : vector<512x1xi32> to vector<128x1xi32>
    %eq3A_326 = vector.broadcast %slice3A_325 : vector<128x1xi32> to vector<128x512xi32>
    %eq3A_327 = arith.cmpi eq, %eq3A_326, %iota3A : vector<128x512xi32>
    %slice3A_328 = vector.extract_strided_slice %convert_element_type3A_265 {offsets = [384, 0], sizes = [128, 1], strides = [1, 1]} : vector<512x1xf32> to vector<128x1xf32>
    %jit3A_329 = arith.constant 0.000000e+00 : f32
    %broadcast_in_dim3A_330 = vector.shape_cast %slice3A_328 : vector<128x1xf32> to vector<128x1xf32>
    %broadcast_in_dim3A_331 = vector.broadcast %broadcast_in_dim3A_330 : vector<128x1xf32> to vector<128x512xf32>
    %broadcast_in_dim3A_332 = vector.broadcast %jit3A_329 : f32 to vector<128x512xf32>
    %select_n3A_333 = arith.select %eq3A_327, %broadcast_in_dim3A_331, %broadcast_in_dim3A_332 : vector<128x512xi1>, vector<128x512xf32>
    %slice3A_334 = vector.extract_strided_slice %get3A_21 {offsets = [384, 0], sizes = [128, 96], strides = [1, 1]} : vector<512x96xf32> to vector<128x96xf32>
    %dot_general3A_335 = arith.constant dense<0.000000e+00> : vector<512x96xf32>
    %dot_general3A_336 = tpu.matmul %select_n3A_333, %slice3A_334, %dot_general3A_335 {dimension_numbers = #tpu.dot_dimension_numbers<[0], [0], [1], [1], [0, 1, 1, 1], [], []>, precision = #tpu.contract_precision<fp32>, transpose_lhs_hint = false} : vector<128x512xf32>, vector<128x96xf32>, vector<512x96xf32> -> vector<512x96xf32>
    %add3A_337 = arith.addf %add3A_320, %dot_general3A_336 : vector<512x96xf32>
    %reduce_sum3A_338 = arith.constant dense<0.000000e+00> : vector<512xf32>
    %reduce_sum3A_339 = vector.multi_reduction <add>, %select_n3A_333, %reduce_sum3A_338 [0] : vector<128x512xf32> to vector<512xf32>
    %broadcast_in_dim3A_340 = vector.shape_cast %reduce_sum3A_339 : vector<512xf32> to vector<1x512xf32>
    %add3A_341 = arith.addf %add3A_324, %broadcast_in_dim3A_340 : vector<1x512xf32>
    %add3A_342 = arith.addf %get3A_16, %add3A_337 : vector<512x96xf32>
    %transpose3A_343 = tpu.transpose %add3A_341, [1, 0] : vector<1x512xf32> -> vector<512x1xf32>
    %add3A_344 = arith.constant 1.000000e+00 : f32
    %add3A_345 = vector.broadcast %add3A_344 : f32 to vector<512x1xf32>
    %add3A_346 = arith.addf %add3A_345, %transpose3A_343 : vector<512x1xf32>
    %div3A_347 = vector.broadcast %add3A_346 : vector<512x1xf32> to vector<512x96xf32>
    %div3A_348 = arith.divf %add3A_342, %div3A_347 : vector<512x96xf32>
    %broadcast_in_dim3A_349 = arith.constant 0.000000e+00 : f32
    %broadcast_in_dim3A_350 = vector.broadcast %broadcast_in_dim3A_349 : f32 to vector<512x1xf32>
    %add3A_351 = arith.constant 0 : i32
    %add3A_352 = vector.broadcast %add3A_351 : i32 to vector<512x128xi32>
    %add3A_353 = arith.addi %add3A_352, %iota3A_187 : vector<512x128xi32>
    %lt3A_354 = arith.cmpi slt, %add3A_353, %iota3A_186 : vector<512x128xi32>
    %slice3A_355 = vector.extract_strided_slice %sub3A_269 {offsets = [0, 0], sizes = [1, 128], strides = [1, 1]} : vector<1x512xf32> to vector<1x128xf32>
    %jit3A_356 = arith.constant 0.000000e+00 : f32
    %broadcast_in_dim3A_357 = vector.shape_cast %slice3A_355 : vector<1x128xf32> to vector<1x128xf32>
    %broadcast_in_dim3A_358 = vector.broadcast %broadcast_in_dim3A_357 : vector<1x128xf32> to vector<512x128xf32>
    %broadcast_in_dim3A_359 = vector.broadcast %jit3A_356 : f32 to vector<512x128xf32>
    %select_n3A_360 = arith.select %lt3A_354, %broadcast_in_dim3A_358, %broadcast_in_dim3A_359 : vector<512x128xi1>, vector<512x128xf32>
    %reduce_sum3A_361 = arith.constant dense<0.000000e+00> : vector<512xf32>
    %reduce_sum3A_362 = vector.multi_reduction <add>, %select_n3A_360, %reduce_sum3A_361 [1] : vector<512x128xf32> to vector<512xf32>
    %broadcast_in_dim3A_363 = vector.shape_cast %reduce_sum3A_362 : vector<512xf32> to vector<512x1xf32>
    %add3A_364 = arith.addf %broadcast_in_dim3A_350, %broadcast_in_dim3A_363 : vector<512x1xf32>
    %add3A_365 = arith.constant 128 : i32
    %add3A_366 = vector.broadcast %add3A_365 : i32 to vector<512x128xi32>
    %add3A_367 = arith.addi %add3A_366, %iota3A_187 : vector<512x128xi32>
    %lt3A_368 = arith.cmpi slt, %add3A_367, %iota3A_186 : vector<512x128xi32>
    %slice3A_369 = vector.extract_strided_slice %sub3A_269 {offsets = [0, 128], sizes = [1, 128], strides = [1, 1]} : vector<1x512xf32> to vector<1x128xf32>
    %jit3A_370 = arith.constant 0.000000e+00 : f32
    %broadcast_in_dim3A_371 = vector.shape_cast %slice3A_369 : vector<1x128xf32> to vector<1x128xf32>
    %broadcast_in_dim3A_372 = vector.broadcast %broadcast_in_dim3A_371 : vector<1x128xf32> to vector<512x128xf32>
    %broadcast_in_dim3A_373 = vector.broadcast %jit3A_370 : f32 to vector<512x128xf32>
    %select_n3A_374 = arith.select %lt3A_368, %broadcast_in_dim3A_372, %broadcast_in_dim3A_373 : vector<512x128xi1>, vector<512x128xf32>
    %reduce_sum3A_375 = arith.constant dense<0.000000e+00> : vector<512xf32>
    %reduce_sum3A_376 = vector.multi_reduction <add>, %select_n3A_374, %reduce_sum3A_375 [1] : vector<512x128xf32> to vector<512xf32>
    %broadcast_in_dim3A_377 = vector.shape_cast %reduce_sum3A_376 : vector<512xf32> to vector<512x1xf32>
    %add3A_378 = arith.addf %add3A_364, %broadcast_in_dim3A_377 : vector<512x1xf32>
    %add3A_379 = arith.constant 256 : i32
    %add3A_380 = vector.broadcast %add3A_379 : i32 to vector<512x128xi32>
    %add3A_381 = arith.addi %add3A_380, %iota3A_187 : vector<512x128xi32>
    %lt3A_382 = arith.cmpi slt, %add3A_381, %iota3A_186 : vector<512x128xi32>
    %slice3A_383 = vector.extract_strided_slice %sub3A_269 {offsets = [0, 256], sizes = [1, 128], strides = [1, 1]} : vector<1x512xf32> to vector<1x128xf32>
    %jit3A_384 = arith.constant 0.000000e+00 : f32
    %broadcast_in_dim3A_385 = vector.shape_cast %slice3A_383 : vector<1x128xf32> to vector<1x128xf32>
    %broadcast_in_dim3A_386 = vector.broadcast %broadcast_in_dim3A_385 : vector<1x128xf32> to vector<512x128xf32>
    %broadcast_in_dim3A_387 = vector.broadcast %jit3A_384 : f32 to vector<512x128xf32>
    %select_n3A_388 = arith.select %lt3A_382, %broadcast_in_dim3A_386, %broadcast_in_dim3A_387 : vector<512x128xi1>, vector<512x128xf32>
    %reduce_sum3A_389 = arith.constant dense<0.000000e+00> : vector<512xf32>
    %reduce_sum3A_390 = vector.multi_reduction <add>, %select_n3A_388, %reduce_sum3A_389 [1] : vector<512x128xf32> to vector<512xf32>
    %broadcast_in_dim3A_391 = vector.shape_cast %reduce_sum3A_390 : vector<512xf32> to vector<512x1xf32>
    %add3A_392 = arith.addf %add3A_378, %broadcast_in_dim3A_391 : vector<512x1xf32>
    %add3A_393 = arith.constant 384 : i32
    %add3A_394 = vector.broadcast %add3A_393 : i32 to vector<512x128xi32>
    %add3A_395 = arith.addi %add3A_394, %iota3A_187 : vector<512x128xi32>
    %lt3A_396 = arith.cmpi slt, %add3A_395, %iota3A_186 : vector<512x128xi32>
    %slice3A_397 = vector.extract_strided_slice %sub3A_269 {offsets = [0, 384], sizes = [1, 128], strides = [1, 1]} : vector<1x512xf32> to vector<1x128xf32>
    %jit3A_398 = arith.constant 0.000000e+00 : f32
    %broadcast_in_dim3A_399 = vector.shape_cast %slice3A_397 : vector<1x128xf32> to vector<1x128xf32>
    %broadcast_in_dim3A_400 = vector.broadcast %broadcast_in_dim3A_399 : vector<1x128xf32> to vector<512x128xf32>
    %broadcast_in_dim3A_401 = vector.broadcast %jit3A_398 : f32 to vector<512x128xf32>
    %select_n3A_402 = arith.select %lt3A_396, %broadcast_in_dim3A_400, %broadcast_in_dim3A_401 : vector<512x128xi1>, vector<512x128xf32>
    %reduce_sum3A_403 = arith.constant dense<0.000000e+00> : vector<512xf32>
    %reduce_sum3A_404 = vector.multi_reduction <add>, %select_n3A_402, %reduce_sum3A_403 [1] : vector<512x128xf32> to vector<512xf32>
    %broadcast_in_dim3A_405 = vector.shape_cast %reduce_sum3A_404 : vector<512xf32> to vector<512x1xf32>
    %add3A_406 = arith.addf %add3A_392, %broadcast_in_dim3A_405 : vector<512x1xf32>
    %convert_element_type3A_407 = arith.fptosi %add3A_406 : vector<512x1xf32> to vector<512x1xi32>
    %transpose3A_408 = tpu.transpose %convert_element_type3A_407, [1, 0] : vector<512x1xi32> -> vector<1x512xi32>
    %iota3A_409 = tpu.iota {dimensions = array<i32: 0>} : vector<512x1xi32>
    %convert_element_type3A_410 = arith.sitofp %iota3A_409 : vector<512x1xi32> to vector<512x1xf32>
    %broadcast_in_dim3A_411 = arith.constant 0.000000e+00 : f32
    %broadcast_in_dim3A_412 = vector.broadcast %broadcast_in_dim3A_411 : f32 to vector<256x1xf32>
    %iota3A_413 = tpu.iota {dimensions = array<i32: 0>} : vector<256x128xi32>
    %slice3A_414 = vector.extract_strided_slice %transpose3A_408 {offsets = [0, 0], sizes = [1, 128], strides = [1, 1]} : vector<1x512xi32> to vector<1x128xi32>
    %eq3A_415 = vector.broadcast %slice3A_414 : vector<1x128xi32> to vector<256x128xi32>
    %eq3A_416 = arith.cmpi eq, %iota3A_413, %eq3A_415 : vector<256x128xi32>
    %slice3A_417 = vector.extract_strided_slice %sub3A_269 {offsets = [0, 0], sizes = [1, 128], strides = [1, 1]} : vector<1x512xf32> to vector<1x128xf32>
    %gt3A_418 = arith.constant 5.000000e-01 : f32
    %gt3A_419 = vector.broadcast %gt3A_418 : f32 to vector<1x128xf32>
    %gt3A_420 = arith.cmpf ogt, %slice3A_417, %gt3A_419 : vector<1x128xf32>
    %and3A_421 = vector.broadcast %gt3A_420 : vector<1x128xi1> to vector<256x128xi1>
    %and3A_422 = arith.andi %eq3A_416, %and3A_421 : vector<256x128xi1>
    %jit3A_423 = arith.constant 1.000000e+00 : f32
    %jit3A_424 = arith.constant 0.000000e+00 : f32
    %broadcast_in_dim3A_425 = vector.broadcast %jit3A_423 : f32 to vector<256x128xf32>
    %broadcast_in_dim3A_426 = vector.broadcast %jit3A_424 : f32 to vector<256x128xf32>
    %select_n3A_427 = arith.select %and3A_422, %broadcast_in_dim3A_425, %broadcast_in_dim3A_426 : vector<256x128xi1>, vector<256x128xf32>
    %slice3A_428 = vector.extract_strided_slice %convert_element_type3A_410 {offsets = [0, 0], sizes = [128, 1], strides = [1, 1]} : vector<512x1xf32> to vector<128x1xf32>
    %dot_general3A_429 = arith.constant dense<0.000000e+00> : vector<256x1xf32>
    %dot_general3A_430 = tpu.matmul %select_n3A_427, %slice3A_428, %dot_general3A_429 {dimension_numbers = #tpu.dot_dimension_numbers<[1], [0], [0], [1], [0, 0, 1, 1], [], []>, precision = #tpu.contract_precision<fp32>, transpose_lhs_hint = false} : vector<256x128xf32>, vector<128x1xf32>, vector<256x1xf32> -> vector<256x1xf32>
    %add3A_431 = arith.addf %broadcast_in_dim3A_412, %dot_general3A_430 : vector<256x1xf32>
    %slice3A_432 = vector.extract_strided_slice %transpose3A_408 {offsets = [0, 128], sizes = [1, 128], strides = [1, 1]} : vector<1x512xi32> to vector<1x128xi32>
    %eq3A_433 = vector.broadcast %slice3A_432 : vector<1x128xi32> to vector<256x128xi32>
    %eq3A_434 = arith.cmpi eq, %iota3A_413, %eq3A_433 : vector<256x128xi32>
    %slice3A_435 = vector.extract_strided_slice %sub3A_269 {offsets = [0, 128], sizes = [1, 128], strides = [1, 1]} : vector<1x512xf32> to vector<1x128xf32>
    %gt3A_436 = arith.constant 5.000000e-01 : f32
    %gt3A_437 = vector.broadcast %gt3A_436 : f32 to vector<1x128xf32>
    %gt3A_438 = arith.cmpf ogt, %slice3A_435, %gt3A_437 : vector<1x128xf32>
    %and3A_439 = vector.broadcast %gt3A_438 : vector<1x128xi1> to vector<256x128xi1>
    %and3A_440 = arith.andi %eq3A_434, %and3A_439 : vector<256x128xi1>
    %jit3A_441 = arith.constant 1.000000e+00 : f32
    %jit3A_442 = arith.constant 0.000000e+00 : f32
    %broadcast_in_dim3A_443 = vector.broadcast %jit3A_441 : f32 to vector<256x128xf32>
    %broadcast_in_dim3A_444 = vector.broadcast %jit3A_442 : f32 to vector<256x128xf32>
    %select_n3A_445 = arith.select %and3A_440, %broadcast_in_dim3A_443, %broadcast_in_dim3A_444 : vector<256x128xi1>, vector<256x128xf32>
    %slice3A_446 = vector.extract_strided_slice %convert_element_type3A_410 {offsets = [128, 0], sizes = [128, 1], strides = [1, 1]} : vector<512x1xf32> to vector<128x1xf32>
    %dot_general3A_447 = arith.constant dense<0.000000e+00> : vector<256x1xf32>
    %dot_general3A_448 = tpu.matmul %select_n3A_445, %slice3A_446, %dot_general3A_447 {dimension_numbers = #tpu.dot_dimension_numbers<[1], [0], [0], [1], [0, 0, 1, 1], [], []>, precision = #tpu.contract_precision<fp32>, transpose_lhs_hint = false} : vector<256x128xf32>, vector<128x1xf32>, vector<256x1xf32> -> vector<256x1xf32>
    %add3A_449 = arith.addf %add3A_431, %dot_general3A_448 : vector<256x1xf32>
    %slice3A_450 = vector.extract_strided_slice %transpose3A_408 {offsets = [0, 256], sizes = [1, 128], strides = [1, 1]} : vector<1x512xi32> to vector<1x128xi32>
    %eq3A_451 = vector.broadcast %slice3A_450 : vector<1x128xi32> to vector<256x128xi32>
    %eq3A_452 = arith.cmpi eq, %iota3A_413, %eq3A_451 : vector<256x128xi32>
    %slice3A_453 = vector.extract_strided_slice %sub3A_269 {offsets = [0, 256], sizes = [1, 128], strides = [1, 1]} : vector<1x512xf32> to vector<1x128xf32>
    %gt3A_454 = arith.constant 5.000000e-01 : f32
    %gt3A_455 = vector.broadcast %gt3A_454 : f32 to vector<1x128xf32>
    %gt3A_456 = arith.cmpf ogt, %slice3A_453, %gt3A_455 : vector<1x128xf32>
    %and3A_457 = vector.broadcast %gt3A_456 : vector<1x128xi1> to vector<256x128xi1>
    %and3A_458 = arith.andi %eq3A_452, %and3A_457 : vector<256x128xi1>
    %jit3A_459 = arith.constant 1.000000e+00 : f32
    %jit3A_460 = arith.constant 0.000000e+00 : f32
    %broadcast_in_dim3A_461 = vector.broadcast %jit3A_459 : f32 to vector<256x128xf32>
    %broadcast_in_dim3A_462 = vector.broadcast %jit3A_460 : f32 to vector<256x128xf32>
    %select_n3A_463 = arith.select %and3A_458, %broadcast_in_dim3A_461, %broadcast_in_dim3A_462 : vector<256x128xi1>, vector<256x128xf32>
    %slice3A_464 = vector.extract_strided_slice %convert_element_type3A_410 {offsets = [256, 0], sizes = [128, 1], strides = [1, 1]} : vector<512x1xf32> to vector<128x1xf32>
    %dot_general3A_465 = arith.constant dense<0.000000e+00> : vector<256x1xf32>
    %dot_general3A_466 = tpu.matmul %select_n3A_463, %slice3A_464, %dot_general3A_465 {dimension_numbers = #tpu.dot_dimension_numbers<[1], [0], [0], [1], [0, 0, 1, 1], [], []>, precision = #tpu.contract_precision<fp32>, transpose_lhs_hint = false} : vector<256x128xf32>, vector<128x1xf32>, vector<256x1xf32> -> vector<256x1xf32>
    %add3A_467 = arith.addf %add3A_449, %dot_general3A_466 : vector<256x1xf32>
    %slice3A_468 = vector.extract_strided_slice %transpose3A_408 {offsets = [0, 384], sizes = [1, 128], strides = [1, 1]} : vector<1x512xi32> to vector<1x128xi32>
    %eq3A_469 = vector.broadcast %slice3A_468 : vector<1x128xi32> to vector<256x128xi32>
    %eq3A_470 = arith.cmpi eq, %iota3A_413, %eq3A_469 : vector<256x128xi32>
    %slice3A_471 = vector.extract_strided_slice %sub3A_269 {offsets = [0, 384], sizes = [1, 128], strides = [1, 1]} : vector<1x512xf32> to vector<1x128xf32>
    %gt3A_472 = arith.constant 5.000000e-01 : f32
    %gt3A_473 = vector.broadcast %gt3A_472 : f32 to vector<1x128xf32>
    %gt3A_474 = arith.cmpf ogt, %slice3A_471, %gt3A_473 : vector<1x128xf32>
    %and3A_475 = vector.broadcast %gt3A_474 : vector<1x128xi1> to vector<256x128xi1>
    %and3A_476 = arith.andi %eq3A_470, %and3A_475 : vector<256x128xi1>
    %jit3A_477 = arith.constant 1.000000e+00 : f32
    %jit3A_478 = arith.constant 0.000000e+00 : f32
    %broadcast_in_dim3A_479 = vector.broadcast %jit3A_477 : f32 to vector<256x128xf32>
    %broadcast_in_dim3A_480 = vector.broadcast %jit3A_478 : f32 to vector<256x128xf32>
    %select_n3A_481 = arith.select %and3A_476, %broadcast_in_dim3A_479, %broadcast_in_dim3A_480 : vector<256x128xi1>, vector<256x128xf32>
    %slice3A_482 = vector.extract_strided_slice %convert_element_type3A_410 {offsets = [384, 0], sizes = [128, 1], strides = [1, 1]} : vector<512x1xf32> to vector<128x1xf32>
    %dot_general3A_483 = arith.constant dense<0.000000e+00> : vector<256x1xf32>
    %dot_general3A_484 = tpu.matmul %select_n3A_481, %slice3A_482, %dot_general3A_483 {dimension_numbers = #tpu.dot_dimension_numbers<[1], [0], [0], [1], [0, 0, 1, 1], [], []>, precision = #tpu.contract_precision<fp32>, transpose_lhs_hint = false} : vector<256x128xf32>, vector<128x1xf32>, vector<256x1xf32> -> vector<256x1xf32>
    %add3A_485 = arith.addf %add3A_467, %dot_general3A_484 : vector<256x1xf32>
    %convert_element_type3A_486 = arith.fptosi %add3A_485 : vector<256x1xf32> to vector<256x1xi32>
    %mul3A_487 = arith.constant 512 : i32
    %mul3A_488 = arith.muli %add3A_6, %mul3A_487 : i32
    %add3A_489 = vector.broadcast %mul3A_488 : i32 to vector<256x1xi32>
    %add3A_490 = arith.addi %convert_element_type3A_486, %add3A_489 : vector<256x1xi32>
    %concatenate3A_491 = tpu.concatenate %get3A_11, %div3A_348 in 0 : vector<1x96xf32>, vector<512x96xf32> -> vector<513x96xf32>
    %swap3A = arith.constant 0 : index
    %swap3A_492 = arith.constant 0 : index
    %swap3A_493 = arith.constant 0 : index
    %swap3A_494 = vector.load %arg6[%swap3A, %swap3A_492, %swap3A_493] : memref<2x513x96xf32, #tpu.memory_space<vmem>>, vector<1x513x96xf32>
    %swap3A_495 = vector.shape_cast %swap3A_494 : vector<1x513x96xf32> to vector<513x96xf32>
    %swap3A_496 = vector.shape_cast %concatenate3A_491 : vector<513x96xf32> to vector<1x513x96xf32>
    tpu.vector_store %arg6[%swap3A, %swap3A_492, %swap3A_493], %swap3A_496 {strides = array<i32>} : memref<2x513x96xf32, #tpu.memory_space<vmem>>, vector<1x513x96xf32>,
    %swap3A_497 = arith.constant 0 : index
    %swap3A_498 = arith.constant 0 : index
    %swap3A_499 = arith.constant 0 : index
    %swap3A_500 = vector.load %arg7[%swap3A_497, %swap3A_498, %swap3A_499] : memref<2x256x1xi32, #tpu.memory_space<vmem>>, vector<1x256x1xi32>
    %swap3A_501 = vector.shape_cast %swap3A_500 : vector<1x256x1xi32> to vector<256x1xi32>
    %swap3A_502 = vector.shape_cast %add3A_490 : vector<256x1xi32> to vector<1x256x1xi32>
    tpu.vector_store %arg7[%swap3A_497, %swap3A_498, %swap3A_499], %swap3A_502 {strides = array<i32>} : memref<2x256x1xi32, #tpu.memory_space<vmem>>, vector<1x256x1xi32>,
    %mul3A_503 = arith.constant 2 : i32
    %mul3A_504 = arith.muli %arg0, %mul3A_503 : i32
    %add3A_505 = arith.constant 1 : i32
    %add3A_506 = arith.addi %mul3A_504, %add3A_505 : i32
    %get3A_507 = arith.constant 1 : index
    %get3A_508 = arith.constant 0 : index
    %get3A_509 = arith.constant 0 : index
    %get3A_510 = vector.load %arg1[%get3A_507, %get3A_508, %get3A_509] : memref<2x1x96xf32, #tpu.memory_space<vmem>>, vector<1x1x96xf32>
    %get3A_511 = vector.shape_cast %get3A_510 : vector<1x1x96xf32> to vector<1x96xf32>
    %get3A_512 = arith.constant 1 : index
    %get3A_513 = arith.constant 0 : index
    %get3A_514 = arith.constant 0 : index
    %get3A_515 = vector.load %arg2[%get3A_512, %get3A_513, %get3A_514] : memref<2x512x96xf32, #tpu.memory_space<vmem>>, vector<1x512x96xf32>
    %get3A_516 = vector.shape_cast %get3A_515 : vector<1x512x96xf32> to vector<512x96xf32>
    %get3A_517 = arith.constant 1 : index
    %get3A_518 = arith.constant 0 : index
    %get3A_519 = arith.constant 0 : index
    %get3A_520 = vector.load %arg3[%get3A_517, %get3A_518, %get3A_519] : memref<2x512x96xf32, #tpu.memory_space<vmem>>, vector<1x512x96xf32>
    %get3A_521 = vector.shape_cast %get3A_520 : vector<1x512x96xf32> to vector<512x96xf32>
    %dot_general3A_522 = arith.constant dense<0.000000e+00> : vector<16x96xf32>
    %dot_general3A_523 = tpu.matmul %get3A_1, %get3A_516, %dot_general3A_522 {dimension_numbers = #tpu.dot_dimension_numbers<[0], [0], [1], [1], [0, 1, 1, 1], [], []>, precision = #tpu.contract_precision<fp32>, transpose_lhs_hint = false} : vector<512x16xf32>, vector<512x96xf32>, vector<16x96xf32> -> vector<16x96xf32>
    %dot_general3A_524 = arith.constant dense<0.000000e+00> : vector<16x96xf32>
    %dot_general3A_525 = tpu.matmul %get3A_4, %get3A_521, %dot_general3A_524 {dimension_numbers = #tpu.dot_dimension_numbers<[0], [0], [1], [1], [0, 1, 1, 1], [], []>, precision = #tpu.contract_precision<fp32>, transpose_lhs_hint = false} : vector<512x16xf32>, vector<512x96xf32>, vector<16x96xf32> -> vector<16x96xf32>
    %add3A_526 = arith.addf %dot_general3A_523, %dot_general3A_525 : vector<16x96xf32>
    %dot_general3A_527 = arith.constant dense<0.000000e+00> : vector<512x96xf32>
    %dot_general3A_528 = tpu.matmul %get3A_1, %add3A_526, %dot_general3A_527 {dimension_numbers = #tpu.dot_dimension_numbers<[1], [0], [0], [1], [0, 0, 1, 1], [], []>, precision = #tpu.contract_precision<fp32>, transpose_lhs_hint = false} : vector<512x16xf32>, vector<16x96xf32>, vector<512x96xf32> -> vector<512x96xf32>
    %sub3A_529 = arith.subf %get3A_516, %dot_general3A_528 : vector<512x96xf32>
    %dot_general3A_530 = arith.constant dense<0.000000e+00> : vector<512x96xf32>
    %dot_general3A_531 = tpu.matmul %get3A_4, %add3A_526, %dot_general3A_530 {dimension_numbers = #tpu.dot_dimension_numbers<[1], [0], [0], [1], [0, 0, 1, 1], [], []>, precision = #tpu.contract_precision<fp32>, transpose_lhs_hint = false} : vector<512x16xf32>, vector<16x96xf32>, vector<512x96xf32> -> vector<512x96xf32>
    %sub3A_532 = arith.subf %get3A_521, %dot_general3A_531 : vector<512x96xf32>
    %mul3A_533 = arith.mulf %sub3A_529, %sub3A_529 : vector<512x96xf32>
    %reduce_sum3A_534 = arith.constant dense<0.000000e+00> : vector<512xf32>
    %reduce_sum3A_535 = vector.multi_reduction <add>, %mul3A_533, %reduce_sum3A_534 [1] : vector<512x96xf32> to vector<512xf32>
    %broadcast_in_dim3A_536 = vector.shape_cast %reduce_sum3A_535 : vector<512xf32> to vector<512x1xf32>
    %sqrt3A_537 = math.sqrt %broadcast_in_dim3A_536 : vector<512x1xf32>
    %mul3A_538 = arith.mulf %sub3A_532, %sub3A_532 : vector<512x96xf32>
    %reduce_sum3A_539 = arith.constant dense<0.000000e+00> : vector<512xf32>
    %reduce_sum3A_540 = vector.multi_reduction <add>, %mul3A_538, %reduce_sum3A_539 [1] : vector<512x96xf32> to vector<512xf32>
    %broadcast_in_dim3A_541 = vector.shape_cast %reduce_sum3A_540 : vector<512xf32> to vector<512x1xf32>
    %sqrt3A_542 = math.sqrt %broadcast_in_dim3A_541 : vector<512x1xf32>
    %reduce_min3A_543 = vector.shape_cast %sqrt3A_537 : vector<512x1xf32> to vector<1x512x1xf32>
    %reduce_min3A_544 = arith.constant dense<0x7F800000> : vector<1xf32>
    %reduce_min3A_545 = vector.multi_reduction <minimumf>, %reduce_min3A_543, %reduce_min3A_544 [1, 2] : vector<1x512x1xf32> to vector<1xf32>
    %reduce_min3A_546 = vector.shape_cast %reduce_min3A_545 : vector<1xf32> to vector<1x1x1xf32>
    %reduce_min3A_547 = vector.extract %reduce_min3A_546[0, 0, 0] : f32 from vector<1x1x1xf32>
    %reduce_min3A_548 = vector.shape_cast %sqrt3A_542 : vector<512x1xf32> to vector<1x512x1xf32>
    %reduce_min3A_549 = arith.constant dense<0x7F800000> : vector<1xf32>
    %reduce_min3A_550 = vector.multi_reduction <minimumf>, %reduce_min3A_548, %reduce_min3A_549 [1, 2] : vector<1x512x1xf32> to vector<1xf32>
    %reduce_min3A_551 = vector.shape_cast %reduce_min3A_550 : vector<1xf32> to vector<1x1x1xf32>
    %reduce_min3A_552 = vector.extract %reduce_min3A_551[0, 0, 0] : f32 from vector<1x1x1xf32>
    %min3A_553 = arith.minimumf %reduce_min3A_547, %reduce_min3A_552 : f32
    %reduce_max3A_554 = vector.shape_cast %sqrt3A_537 : vector<512x1xf32> to vector<1x512x1xf32>
    %reduce_max3A_555 = arith.constant dense<0xFF800000> : vector<1xf32>
    %reduce_max3A_556 = vector.multi_reduction <maximumf>, %reduce_max3A_554, %reduce_max3A_555 [1, 2] : vector<1x512x1xf32> to vector<1xf32>
    %reduce_max3A_557 = vector.shape_cast %reduce_max3A_556 : vector<1xf32> to vector<1x1x1xf32>
    %reduce_max3A_558 = vector.extract %reduce_max3A_557[0, 0, 0] : f32 from vector<1x1x1xf32>
    %reduce_max3A_559 = vector.shape_cast %sqrt3A_542 : vector<512x1xf32> to vector<1x512x1xf32>
    %reduce_max3A_560 = arith.constant dense<0xFF800000> : vector<1xf32>
    %reduce_max3A_561 = vector.multi_reduction <maximumf>, %reduce_max3A_559, %reduce_max3A_560 [1, 2] : vector<1x512x1xf32> to vector<1xf32>
    %reduce_max3A_562 = vector.shape_cast %reduce_max3A_561 : vector<1xf32> to vector<1x1x1xf32>
    %reduce_max3A_563 = vector.extract %reduce_max3A_562[0, 0, 0] : f32 from vector<1x1x1xf32>
    %max3A_564 = arith.maximumf %reduce_max3A_558, %reduce_max3A_563 : f32
    %sub3A_565 = arith.subf %max3A_564, %min3A_553 : f32
    %add3A_566 = arith.constant 9.99999997E-7 : f32
    %add3A_567 = arith.addf %sub3A_565, %add3A_566 : f32
    %div3A_568 = arith.constant 1.000000e+00 : f32
    %div3A_569 = arith.divf %div3A_568, %add3A_567 : f32
    %sub3A_570 = vector.broadcast %min3A_553 : f32 to vector<512x1xf32>
    %sub3A_571 = arith.subf %sqrt3A_537, %sub3A_570 : vector<512x1xf32>
    %mul3A_572 = vector.broadcast %div3A_569 : f32 to vector<512x1xf32>
    %mul3A_573 = arith.mulf %sub3A_571, %mul3A_572 : vector<512x1xf32>
    %sub3A_574 = vector.broadcast %min3A_553 : f32 to vector<512x1xf32>
    %sub3A_575 = arith.subf %sqrt3A_542, %sub3A_574 : vector<512x1xf32>
    %mul3A_576 = vector.broadcast %div3A_569 : f32 to vector<512x1xf32>
    %mul3A_577 = arith.mulf %sub3A_575, %mul3A_576 : vector<512x1xf32>
    %transpose3A_578 = tpu.transpose %mul3A_573, [1, 0] : vector<512x1xf32> -> vector<1x512xf32>
    %mul3A_579 = arith.mulf %get3A_516, %get3A_516 : vector<512x96xf32>
    %reduce_sum3A_580 = arith.constant dense<0.000000e+00> : vector<512xf32>
    %reduce_sum3A_581 = vector.multi_reduction <add>, %mul3A_579, %reduce_sum3A_580 [1] : vector<512x96xf32> to vector<512xf32>
    %broadcast_in_dim3A_582 = vector.shape_cast %reduce_sum3A_581 : vector<512xf32> to vector<512x1xf32>
    %sqrt3A_583 = math.sqrt %broadcast_in_dim3A_582 : vector<512x1xf32>
    %max3A_584 = arith.constant 9.99999996E-13 : f32
    %max3A_585 = vector.broadcast %max3A_584 : f32 to vector<512x1xf32>
    %max3A_586 = arith.maximumf %sqrt3A_583, %max3A_585 : vector<512x1xf32>
    %div3A_587 = vector.broadcast %max3A_586 : vector<512x1xf32> to vector<512x96xf32>
    %div3A_588 = arith.divf %get3A_516, %div3A_587 : vector<512x96xf32>
    %mul3A_589 = arith.mulf %get3A_521, %get3A_521 : vector<512x96xf32>
    %reduce_sum3A_590 = arith.constant dense<0.000000e+00> : vector<512xf32>
    %reduce_sum3A_591 = vector.multi_reduction <add>, %mul3A_589, %reduce_sum3A_590 [1] : vector<512x96xf32> to vector<512xf32>
    %broadcast_in_dim3A_592 = vector.shape_cast %reduce_sum3A_591 : vector<512xf32> to vector<512x1xf32>
    %sqrt3A_593 = math.sqrt %broadcast_in_dim3A_592 : vector<512x1xf32>
    %max3A_594 = arith.constant 9.99999996E-13 : f32
    %max3A_595 = vector.broadcast %max3A_594 : f32 to vector<512x1xf32>
    %max3A_596 = arith.maximumf %sqrt3A_593, %max3A_595 : vector<512x1xf32>
    %div3A_597 = vector.broadcast %max3A_596 : vector<512x1xf32> to vector<512x96xf32>
    %div3A_598 = arith.divf %get3A_521, %div3A_597 : vector<512x96xf32>
    %iota3A_599 = tpu.iota {dimensions = array<i32: 1>} : vector<128x512xi32>
    %slice3A_600 = vector.extract_strided_slice %div3A_598 {offsets = [0, 0], sizes = [128, 96], strides = [1, 1]} : vector<512x96xf32> to vector<128x96xf32>
    %dot_general3A_601 = arith.constant dense<0.000000e+00> : vector<128x512xf32>
    %dot_general3A_602 = tpu.matmul %slice3A_600, %div3A_588, %dot_general3A_601 {dimension_numbers = #tpu.dot_dimension_numbers<[1], [1], [0], [0], [0, 0, 1, 0], [], []>, transpose_lhs_hint = false} : vector<128x96xf32>, vector<512x96xf32>, vector<128x512xf32> -> vector<128x512xf32>
    %slice3A_603 = vector.extract_strided_slice %mul3A_577 {offsets = [0, 0], sizes = [128, 1], strides = [1, 1]} : vector<512x1xf32> to vector<128x1xf32>
    %max3A_604 = vector.broadcast %slice3A_603 : vector<128x1xf32> to vector<128x512xf32>
    %max3A_605 = vector.broadcast %transpose3A_578 : vector<1x512xf32> to vector<128x512xf32>
    %max3A_606 = arith.maximumf %max3A_604, %max3A_605 : vector<128x512xf32>
    %mul3A_607 = arith.constant 0.699999988 : f32
    %mul3A_608 = vector.broadcast %mul3A_607 : f32 to vector<128x512xf32>
    %mul3A_609 = arith.mulf %mul3A_608, %max3A_606 : vector<128x512xf32>
    %sub3A_610 = arith.constant 1.000000e+00 : f32
    %sub3A_611 = vector.broadcast %sub3A_610 : f32 to vector<128x512xf32>
    %sub3A_612 = arith.subf %sub3A_611, %mul3A_609 : vector<128x512xf32>
    %mul3A_613 = arith.mulf %dot_general3A_602, %sub3A_612 : vector<128x512xf32>
    %reduce_max3A_614 = arith.constant dense<0xFF800000> : vector<128xf32>
    %reduce_max3A_615 = vector.multi_reduction <maximumf>, %mul3A_613, %reduce_max3A_614 [1] : vector<128x512xf32> to vector<128xf32>
    %broadcast_in_dim3A_616 = vector.shape_cast %reduce_max3A_615 : vector<128xf32> to vector<128x1xf32>
    %eq3A_617 = vector.broadcast %broadcast_in_dim3A_616 : vector<128x1xf32> to vector<128x512xf32>
    %eq3A_618 = arith.cmpf oeq, %mul3A_613, %eq3A_617 : vector<128x512xf32>
    %jit3A_619 = arith.constant 512 : i32
    %broadcast_in_dim3A_620 = vector.broadcast %jit3A_619 : i32 to vector<128x512xi32>
    %select_n3A_621 = arith.select %eq3A_618, %iota3A_599, %broadcast_in_dim3A_620 : vector<128x512xi1>, vector<128x512xi32>
    %reduce_min3A_622 = arith.constant dense<2147483647> : vector<128xi32>
    %reduce_min3A_623 = vector.multi_reduction <minsi>, %select_n3A_621, %reduce_min3A_622 [1] : vector<128x512xi32> to vector<128xi32>
    %broadcast_in_dim3A_624 = vector.shape_cast %reduce_min3A_623 : vector<128xi32> to vector<128x1xi32>
    %slice3A_625 = vector.extract_strided_slice %div3A_598 {offsets = [128, 0], sizes = [128, 96], strides = [1, 1]} : vector<512x96xf32> to vector<128x96xf32>
    %dot_general3A_626 = arith.constant dense<0.000000e+00> : vector<128x512xf32>
    %dot_general3A_627 = tpu.matmul %slice3A_625, %div3A_588, %dot_general3A_626 {dimension_numbers = #tpu.dot_dimension_numbers<[1], [1], [0], [0], [0, 0, 1, 0], [], []>, transpose_lhs_hint = false} : vector<128x96xf32>, vector<512x96xf32>, vector<128x512xf32> -> vector<128x512xf32>
    %slice3A_628 = vector.extract_strided_slice %mul3A_577 {offsets = [128, 0], sizes = [128, 1], strides = [1, 1]} : vector<512x1xf32> to vector<128x1xf32>
    %max3A_629 = vector.broadcast %slice3A_628 : vector<128x1xf32> to vector<128x512xf32>
    %max3A_630 = vector.broadcast %transpose3A_578 : vector<1x512xf32> to vector<128x512xf32>
    %max3A_631 = arith.maximumf %max3A_629, %max3A_630 : vector<128x512xf32>
    %mul3A_632 = arith.constant 0.699999988 : f32
    %mul3A_633 = vector.broadcast %mul3A_632 : f32 to vector<128x512xf32>
    %mul3A_634 = arith.mulf %mul3A_633, %max3A_631 : vector<128x512xf32>
    %sub3A_635 = arith.constant 1.000000e+00 : f32
    %sub3A_636 = vector.broadcast %sub3A_635 : f32 to vector<128x512xf32>
    %sub3A_637 = arith.subf %sub3A_636, %mul3A_634 : vector<128x512xf32>
    %mul3A_638 = arith.mulf %dot_general3A_627, %sub3A_637 : vector<128x512xf32>
    %reduce_max3A_639 = arith.constant dense<0xFF800000> : vector<128xf32>
    %reduce_max3A_640 = vector.multi_reduction <maximumf>, %mul3A_638, %reduce_max3A_639 [1] : vector<128x512xf32> to vector<128xf32>
    %broadcast_in_dim3A_641 = vector.shape_cast %reduce_max3A_640 : vector<128xf32> to vector<128x1xf32>
    %eq3A_642 = vector.broadcast %broadcast_in_dim3A_641 : vector<128x1xf32> to vector<128x512xf32>
    %eq3A_643 = arith.cmpf oeq, %mul3A_638, %eq3A_642 : vector<128x512xf32>
    %jit3A_644 = arith.constant 512 : i32
    %broadcast_in_dim3A_645 = vector.broadcast %jit3A_644 : i32 to vector<128x512xi32>
    %select_n3A_646 = arith.select %eq3A_643, %iota3A_599, %broadcast_in_dim3A_645 : vector<128x512xi1>, vector<128x512xi32>
    %reduce_min3A_647 = arith.constant dense<2147483647> : vector<128xi32>
    %reduce_min3A_648 = vector.multi_reduction <minsi>, %select_n3A_646, %reduce_min3A_647 [1] : vector<128x512xi32> to vector<128xi32>
    %broadcast_in_dim3A_649 = vector.shape_cast %reduce_min3A_648 : vector<128xi32> to vector<128x1xi32>
    %slice3A_650 = vector.extract_strided_slice %div3A_598 {offsets = [256, 0], sizes = [128, 96], strides = [1, 1]} : vector<512x96xf32> to vector<128x96xf32>
    %dot_general3A_651 = arith.constant dense<0.000000e+00> : vector<128x512xf32>
    %dot_general3A_652 = tpu.matmul %slice3A_650, %div3A_588, %dot_general3A_651 {dimension_numbers = #tpu.dot_dimension_numbers<[1], [1], [0], [0], [0, 0, 1, 0], [], []>, transpose_lhs_hint = false} : vector<128x96xf32>, vector<512x96xf32>, vector<128x512xf32> -> vector<128x512xf32>
    %slice3A_653 = vector.extract_strided_slice %mul3A_577 {offsets = [256, 0], sizes = [128, 1], strides = [1, 1]} : vector<512x1xf32> to vector<128x1xf32>
    %max3A_654 = vector.broadcast %slice3A_653 : vector<128x1xf32> to vector<128x512xf32>
    %max3A_655 = vector.broadcast %transpose3A_578 : vector<1x512xf32> to vector<128x512xf32>
    %max3A_656 = arith.maximumf %max3A_654, %max3A_655 : vector<128x512xf32>
    %mul3A_657 = arith.constant 0.699999988 : f32
    %mul3A_658 = vector.broadcast %mul3A_657 : f32 to vector<128x512xf32>
    %mul3A_659 = arith.mulf %mul3A_658, %max3A_656 : vector<128x512xf32>
    %sub3A_660 = arith.constant 1.000000e+00 : f32
    %sub3A_661 = vector.broadcast %sub3A_660 : f32 to vector<128x512xf32>
    %sub3A_662 = arith.subf %sub3A_661, %mul3A_659 : vector<128x512xf32>
    %mul3A_663 = arith.mulf %dot_general3A_652, %sub3A_662 : vector<128x512xf32>
    %reduce_max3A_664 = arith.constant dense<0xFF800000> : vector<128xf32>
    %reduce_max3A_665 = vector.multi_reduction <maximumf>, %mul3A_663, %reduce_max3A_664 [1] : vector<128x512xf32> to vector<128xf32>
    %broadcast_in_dim3A_666 = vector.shape_cast %reduce_max3A_665 : vector<128xf32> to vector<128x1xf32>
    %eq3A_667 = vector.broadcast %broadcast_in_dim3A_666 : vector<128x1xf32> to vector<128x512xf32>
    %eq3A_668 = arith.cmpf oeq, %mul3A_663, %eq3A_667 : vector<128x512xf32>
    %jit3A_669 = arith.constant 512 : i32
    %broadcast_in_dim3A_670 = vector.broadcast %jit3A_669 : i32 to vector<128x512xi32>
    %select_n3A_671 = arith.select %eq3A_668, %iota3A_599, %broadcast_in_dim3A_670 : vector<128x512xi1>, vector<128x512xi32>
    %reduce_min3A_672 = arith.constant dense<2147483647> : vector<128xi32>
    %reduce_min3A_673 = vector.multi_reduction <minsi>, %select_n3A_671, %reduce_min3A_672 [1] : vector<128x512xi32> to vector<128xi32>
    %broadcast_in_dim3A_674 = vector.shape_cast %reduce_min3A_673 : vector<128xi32> to vector<128x1xi32>
    %slice3A_675 = vector.extract_strided_slice %div3A_598 {offsets = [384, 0], sizes = [128, 96], strides = [1, 1]} : vector<512x96xf32> to vector<128x96xf32>
    %dot_general3A_676 = arith.constant dense<0.000000e+00> : vector<128x512xf32>
    %dot_general3A_677 = tpu.matmul %slice3A_675, %div3A_588, %dot_general3A_676 {dimension_numbers = #tpu.dot_dimension_numbers<[1], [1], [0], [0], [0, 0, 1, 0], [], []>, transpose_lhs_hint = false} : vector<128x96xf32>, vector<512x96xf32>, vector<128x512xf32> -> vector<128x512xf32>
    %slice3A_678 = vector.extract_strided_slice %mul3A_577 {offsets = [384, 0], sizes = [128, 1], strides = [1, 1]} : vector<512x1xf32> to vector<128x1xf32>
    %max3A_679 = vector.broadcast %slice3A_678 : vector<128x1xf32> to vector<128x512xf32>
    %max3A_680 = vector.broadcast %transpose3A_578 : vector<1x512xf32> to vector<128x512xf32>
    %max3A_681 = arith.maximumf %max3A_679, %max3A_680 : vector<128x512xf32>
    %mul3A_682 = arith.constant 0.699999988 : f32
    %mul3A_683 = vector.broadcast %mul3A_682 : f32 to vector<128x512xf32>
    %mul3A_684 = arith.mulf %mul3A_683, %max3A_681 : vector<128x512xf32>
    %sub3A_685 = arith.constant 1.000000e+00 : f32
    %sub3A_686 = vector.broadcast %sub3A_685 : f32 to vector<128x512xf32>
    %sub3A_687 = arith.subf %sub3A_686, %mul3A_684 : vector<128x512xf32>
    %mul3A_688 = arith.mulf %dot_general3A_677, %sub3A_687 : vector<128x512xf32>
    %reduce_max3A_689 = arith.constant dense<0xFF800000> : vector<128xf32>
    %reduce_max3A_690 = vector.multi_reduction <maximumf>, %mul3A_688, %reduce_max3A_689 [1] : vector<128x512xf32> to vector<128xf32>
    %broadcast_in_dim3A_691 = vector.shape_cast %reduce_max3A_690 : vector<128xf32> to vector<128x1xf32>
    %eq3A_692 = vector.broadcast %broadcast_in_dim3A_691 : vector<128x1xf32> to vector<128x512xf32>
    %eq3A_693 = arith.cmpf oeq, %mul3A_688, %eq3A_692 : vector<128x512xf32>
    %jit3A_694 = arith.constant 512 : i32
    %broadcast_in_dim3A_695 = vector.broadcast %jit3A_694 : i32 to vector<128x512xi32>
    %select_n3A_696 = arith.select %eq3A_693, %iota3A_599, %broadcast_in_dim3A_695 : vector<128x512xi1>, vector<128x512xi32>
    %reduce_min3A_697 = arith.constant dense<2147483647> : vector<128xi32>
    %reduce_min3A_698 = vector.multi_reduction <minsi>, %select_n3A_696, %reduce_min3A_697 [1] : vector<128x512xi32> to vector<128xi32>
    %broadcast_in_dim3A_699 = vector.shape_cast %reduce_min3A_698 : vector<128xi32> to vector<128x1xi32>
    %concatenate3A_700 = tpu.concatenate %broadcast_in_dim3A_616, %broadcast_in_dim3A_641, %broadcast_in_dim3A_666, %broadcast_in_dim3A_691 in 0 : vector<128x1xf32>, vector<128x1xf32>, vector<128x1xf32>, vector<128x1xf32> -> vector<512x1xf32>
    %concatenate3A_701 = tpu.concatenate %broadcast_in_dim3A_624, %broadcast_in_dim3A_649, %broadcast_in_dim3A_674, %broadcast_in_dim3A_699 in 0 : vector<128x1xi32>, vector<128x1xi32>, vector<128x1xi32>, vector<128x1xi32> -> vector<512x1xi32>
    %transpose3A_702 = tpu.transpose %concatenate3A_700, [1, 0] : vector<512x1xf32> -> vector<1x512xf32>
    %iota3A_703 = tpu.iota {dimensions = array<i32: 0>} : vector<512x128xi32>
    %iota3A_704 = tpu.iota {dimensions = array<i32: 1>} : vector<512x128xi32>
    %broadcast_in_dim3A_705 = arith.constant 0.000000e+00 : f32
    %broadcast_in_dim3A_706 = vector.broadcast %broadcast_in_dim3A_705 : f32 to vector<512x1xf32>
    %slice3A_707 = vector.extract_strided_slice %transpose3A_702 {offsets = [0, 0], sizes = [1, 128], strides = [1, 1]} : vector<1x512xf32> to vector<1x128xf32>
    %gt3A_708 = vector.broadcast %slice3A_707 : vector<1x128xf32> to vector<512x128xf32>
    %gt3A_709 = vector.broadcast %concatenate3A_700 : vector<512x1xf32> to vector<512x128xf32>
    %gt3A_710 = arith.cmpf ogt, %gt3A_708, %gt3A_709 : vector<512x128xf32>
    %eq3A_711 = vector.broadcast %slice3A_707 : vector<1x128xf32> to vector<512x128xf32>
    %eq3A_712 = vector.broadcast %concatenate3A_700 : vector<512x1xf32> to vector<512x128xf32>
    %eq3A_713 = arith.cmpf oeq, %eq3A_711, %eq3A_712 : vector<512x128xf32>
    %add3A_714 = arith.constant 0 : i32
    %add3A_715 = vector.broadcast %add3A_714 : i32 to vector<512x128xi32>
    %add3A_716 = arith.addi %add3A_715, %iota3A_704 : vector<512x128xi32>
    %lt3A_717 = arith.cmpi slt, %add3A_716, %iota3A_703 : vector<512x128xi32>
    %and3A_718 = arith.andi %eq3A_713, %lt3A_717 : vector<512x128xi1>
    %or3A_719 = arith.ori %gt3A_710, %and3A_718 : vector<512x128xi1>
    %convert_element_type3A_720 = arith.extui %or3A_719 : vector<512x128xi1> to vector<512x128xi32>
    %convert_element_type3A_721 = arith.sitofp %convert_element_type3A_720 : vector<512x128xi32> to vector<512x128xf32>
    %reduce_sum3A_722 = arith.constant dense<0.000000e+00> : vector<512xf32>
    %reduce_sum3A_723 = vector.multi_reduction <add>, %convert_element_type3A_721, %reduce_sum3A_722 [1] : vector<512x128xf32> to vector<512xf32>
    %broadcast_in_dim3A_724 = vector.shape_cast %reduce_sum3A_723 : vector<512xf32> to vector<512x1xf32>
    %add3A_725 = arith.addf %broadcast_in_dim3A_706, %broadcast_in_dim3A_724 : vector<512x1xf32>
    %slice3A_726 = vector.extract_strided_slice %transpose3A_702 {offsets = [0, 128], sizes = [1, 128], strides = [1, 1]} : vector<1x512xf32> to vector<1x128xf32>
    %gt3A_727 = vector.broadcast %slice3A_726 : vector<1x128xf32> to vector<512x128xf32>
    %gt3A_728 = vector.broadcast %concatenate3A_700 : vector<512x1xf32> to vector<512x128xf32>
    %gt3A_729 = arith.cmpf ogt, %gt3A_727, %gt3A_728 : vector<512x128xf32>
    %eq3A_730 = vector.broadcast %slice3A_726 : vector<1x128xf32> to vector<512x128xf32>
    %eq3A_731 = vector.broadcast %concatenate3A_700 : vector<512x1xf32> to vector<512x128xf32>
    %eq3A_732 = arith.cmpf oeq, %eq3A_730, %eq3A_731 : vector<512x128xf32>
    %add3A_733 = arith.constant 128 : i32
    %add3A_734 = vector.broadcast %add3A_733 : i32 to vector<512x128xi32>
    %add3A_735 = arith.addi %add3A_734, %iota3A_704 : vector<512x128xi32>
    %lt3A_736 = arith.cmpi slt, %add3A_735, %iota3A_703 : vector<512x128xi32>
    %and3A_737 = arith.andi %eq3A_732, %lt3A_736 : vector<512x128xi1>
    %or3A_738 = arith.ori %gt3A_729, %and3A_737 : vector<512x128xi1>
    %convert_element_type3A_739 = arith.extui %or3A_738 : vector<512x128xi1> to vector<512x128xi32>
    %convert_element_type3A_740 = arith.sitofp %convert_element_type3A_739 : vector<512x128xi32> to vector<512x128xf32>
    %reduce_sum3A_741 = arith.constant dense<0.000000e+00> : vector<512xf32>
    %reduce_sum3A_742 = vector.multi_reduction <add>, %convert_element_type3A_740, %reduce_sum3A_741 [1] : vector<512x128xf32> to vector<512xf32>
    %broadcast_in_dim3A_743 = vector.shape_cast %reduce_sum3A_742 : vector<512xf32> to vector<512x1xf32>
    %add3A_744 = arith.addf %add3A_725, %broadcast_in_dim3A_743 : vector<512x1xf32>
    %slice3A_745 = vector.extract_strided_slice %transpose3A_702 {offsets = [0, 256], sizes = [1, 128], strides = [1, 1]} : vector<1x512xf32> to vector<1x128xf32>
    %gt3A_746 = vector.broadcast %slice3A_745 : vector<1x128xf32> to vector<512x128xf32>
    %gt3A_747 = vector.broadcast %concatenate3A_700 : vector<512x1xf32> to vector<512x128xf32>
    %gt3A_748 = arith.cmpf ogt, %gt3A_746, %gt3A_747 : vector<512x128xf32>
    %eq3A_749 = vector.broadcast %slice3A_745 : vector<1x128xf32> to vector<512x128xf32>
    %eq3A_750 = vector.broadcast %concatenate3A_700 : vector<512x1xf32> to vector<512x128xf32>
    %eq3A_751 = arith.cmpf oeq, %eq3A_749, %eq3A_750 : vector<512x128xf32>
    %add3A_752 = arith.constant 256 : i32
    %add3A_753 = vector.broadcast %add3A_752 : i32 to vector<512x128xi32>
    %add3A_754 = arith.addi %add3A_753, %iota3A_704 : vector<512x128xi32>
    %lt3A_755 = arith.cmpi slt, %add3A_754, %iota3A_703 : vector<512x128xi32>
    %and3A_756 = arith.andi %eq3A_751, %lt3A_755 : vector<512x128xi1>
    %or3A_757 = arith.ori %gt3A_748, %and3A_756 : vector<512x128xi1>
    %convert_element_type3A_758 = arith.extui %or3A_757 : vector<512x128xi1> to vector<512x128xi32>
    %convert_element_type3A_759 = arith.sitofp %convert_element_type3A_758 : vector<512x128xi32> to vector<512x128xf32>
    %reduce_sum3A_760 = arith.constant dense<0.000000e+00> : vector<512xf32>
    %reduce_sum3A_761 = vector.multi_reduction <add>, %convert_element_type3A_759, %reduce_sum3A_760 [1] : vector<512x128xf32> to vector<512xf32>
    %broadcast_in_dim3A_762 = vector.shape_cast %reduce_sum3A_761 : vector<512xf32> to vector<512x1xf32>
    %add3A_763 = arith.addf %add3A_744, %broadcast_in_dim3A_762 : vector<512x1xf32>
    %slice3A_764 = vector.extract_strided_slice %transpose3A_702 {offsets = [0, 384], sizes = [1, 128], strides = [1, 1]} : vector<1x512xf32> to vector<1x128xf32>
    %gt3A_765 = vector.broadcast %slice3A_764 : vector<1x128xf32> to vector<512x128xf32>
    %gt3A_766 = vector.broadcast %concatenate3A_700 : vector<512x1xf32> to vector<512x128xf32>
    %gt3A_767 = arith.cmpf ogt, %gt3A_765, %gt3A_766 : vector<512x128xf32>
    %eq3A_768 = vector.broadcast %slice3A_764 : vector<1x128xf32> to vector<512x128xf32>
    %eq3A_769 = vector.broadcast %concatenate3A_700 : vector<512x1xf32> to vector<512x128xf32>
    %eq3A_770 = arith.cmpf oeq, %eq3A_768, %eq3A_769 : vector<512x128xf32>
    %add3A_771 = arith.constant 384 : i32
    %add3A_772 = vector.broadcast %add3A_771 : i32 to vector<512x128xi32>
    %add3A_773 = arith.addi %add3A_772, %iota3A_704 : vector<512x128xi32>
    %lt3A_774 = arith.cmpi slt, %add3A_773, %iota3A_703 : vector<512x128xi32>
    %and3A_775 = arith.andi %eq3A_770, %lt3A_774 : vector<512x128xi1>
    %or3A_776 = arith.ori %gt3A_767, %and3A_775 : vector<512x128xi1>
    %convert_element_type3A_777 = arith.extui %or3A_776 : vector<512x128xi1> to vector<512x128xi32>
    %convert_element_type3A_778 = arith.sitofp %convert_element_type3A_777 : vector<512x128xi32> to vector<512x128xf32>
    %reduce_sum3A_779 = arith.constant dense<0.000000e+00> : vector<512xf32>
    %reduce_sum3A_780 = vector.multi_reduction <add>, %convert_element_type3A_778, %reduce_sum3A_779 [1] : vector<512x128xf32> to vector<512xf32>
    %broadcast_in_dim3A_781 = vector.shape_cast %reduce_sum3A_780 : vector<512xf32> to vector<512x1xf32>
    %add3A_782 = arith.addf %add3A_763, %broadcast_in_dim3A_781 : vector<512x1xf32>
    %lt3A_783 = arith.constant 3.065000e+02 : f32
    %lt3A_784 = vector.broadcast %lt3A_783 : f32 to vector<512x1xf32>
    %lt3A_785 = arith.cmpf olt, %add3A_782, %lt3A_784 : vector<512x1xf32>
    %convert_element_type3A_786 = arith.extui %lt3A_785 : vector<512x1xi1> to vector<512x1xi32>
    %convert_element_type3A_787 = arith.sitofp %convert_element_type3A_786 : vector<512x1xi32> to vector<512x1xf32>
    %transpose3A_788 = tpu.transpose %convert_element_type3A_787, [1, 0] : vector<512x1xf32> -> vector<1x512xf32>
    %sub3A_789 = arith.constant 1.000000e+00 : f32
    %sub3A_790 = vector.broadcast %sub3A_789 : f32 to vector<1x512xf32>
    %sub3A_791 = arith.subf %sub3A_790, %transpose3A_788 : vector<1x512xf32>
    %broadcast_in_dim3A_792 = arith.constant 0.000000e+00 : f32
    %broadcast_in_dim3A_793 = vector.broadcast %broadcast_in_dim3A_792 : f32 to vector<512x96xf32>
    %broadcast_in_dim3A_794 = arith.constant 0.000000e+00 : f32
    %broadcast_in_dim3A_795 = vector.broadcast %broadcast_in_dim3A_794 : f32 to vector<1x512xf32>
    %slice3A_796 = vector.extract_strided_slice %concatenate3A_701 {offsets = [0, 0], sizes = [128, 1], strides = [1, 1]} : vector<512x1xi32> to vector<128x1xi32>
    %eq3A_797 = vector.broadcast %slice3A_796 : vector<128x1xi32> to vector<128x512xi32>
    %eq3A_798 = arith.cmpi eq, %eq3A_797, %iota3A_599 : vector<128x512xi32>
    %slice3A_799 = vector.extract_strided_slice %convert_element_type3A_787 {offsets = [0, 0], sizes = [128, 1], strides = [1, 1]} : vector<512x1xf32> to vector<128x1xf32>
    %jit3A_800 = arith.constant 0.000000e+00 : f32
    %broadcast_in_dim3A_801 = vector.shape_cast %slice3A_799 : vector<128x1xf32> to vector<128x1xf32>
    %broadcast_in_dim3A_802 = vector.broadcast %broadcast_in_dim3A_801 : vector<128x1xf32> to vector<128x512xf32>
    %broadcast_in_dim3A_803 = vector.broadcast %jit3A_800 : f32 to vector<128x512xf32>
    %select_n3A_804 = arith.select %eq3A_798, %broadcast_in_dim3A_802, %broadcast_in_dim3A_803 : vector<128x512xi1>, vector<128x512xf32>
    %slice3A_805 = vector.extract_strided_slice %get3A_521 {offsets = [0, 0], sizes = [128, 96], strides = [1, 1]} : vector<512x96xf32> to vector<128x96xf32>
    %dot_general3A_806 = arith.constant dense<0.000000e+00> : vector<512x96xf32>
    %dot_general3A_807 = tpu.matmul %select_n3A_804, %slice3A_805, %dot_general3A_806 {dimension_numbers = #tpu.dot_dimension_numbers<[0], [0], [1], [1], [0, 1, 1, 1], [], []>, precision = #tpu.contract_precision<fp32>, transpose_lhs_hint = false} : vector<128x512xf32>, vector<128x96xf32>, vector<512x96xf32> -> vector<512x96xf32>
    %add3A_808 = arith.addf %broadcast_in_dim3A_793, %dot_general3A_807 : vector<512x96xf32>
    %reduce_sum3A_809 = arith.constant dense<0.000000e+00> : vector<512xf32>
    %reduce_sum3A_810 = vector.multi_reduction <add>, %select_n3A_804, %reduce_sum3A_809 [0] : vector<128x512xf32> to vector<512xf32>
    %broadcast_in_dim3A_811 = vector.shape_cast %reduce_sum3A_810 : vector<512xf32> to vector<1x512xf32>
    %add3A_812 = arith.addf %broadcast_in_dim3A_795, %broadcast_in_dim3A_811 : vector<1x512xf32>
    %slice3A_813 = vector.extract_strided_slice %concatenate3A_701 {offsets = [128, 0], sizes = [128, 1], strides = [1, 1]} : vector<512x1xi32> to vector<128x1xi32>
    %eq3A_814 = vector.broadcast %slice3A_813 : vector<128x1xi32> to vector<128x512xi32>
    %eq3A_815 = arith.cmpi eq, %eq3A_814, %iota3A_599 : vector<128x512xi32>
    %slice3A_816 = vector.extract_strided_slice %convert_element_type3A_787 {offsets = [128, 0], sizes = [128, 1], strides = [1, 1]} : vector<512x1xf32> to vector<128x1xf32>
    %jit3A_817 = arith.constant 0.000000e+00 : f32
    %broadcast_in_dim3A_818 = vector.shape_cast %slice3A_816 : vector<128x1xf32> to vector<128x1xf32>
    %broadcast_in_dim3A_819 = vector.broadcast %broadcast_in_dim3A_818 : vector<128x1xf32> to vector<128x512xf32>
    %broadcast_in_dim3A_820 = vector.broadcast %jit3A_817 : f32 to vector<128x512xf32>
    %select_n3A_821 = arith.select %eq3A_815, %broadcast_in_dim3A_819, %broadcast_in_dim3A_820 : vector<128x512xi1>, vector<128x512xf32>
    %slice3A_822 = vector.extract_strided_slice %get3A_521 {offsets = [128, 0], sizes = [128, 96], strides = [1, 1]} : vector<512x96xf32> to vector<128x96xf32>
    %dot_general3A_823 = arith.constant dense<0.000000e+00> : vector<512x96xf32>
    %dot_general3A_824 = tpu.matmul %select_n3A_821, %slice3A_822, %dot_general3A_823 {dimension_numbers = #tpu.dot_dimension_numbers<[0], [0], [1], [1], [0, 1, 1, 1], [], []>, precision = #tpu.contract_precision<fp32>, transpose_lhs_hint = false} : vector<128x512xf32>, vector<128x96xf32>, vector<512x96xf32> -> vector<512x96xf32>
    %add3A_825 = arith.addf %add3A_808, %dot_general3A_824 : vector<512x96xf32>
    %reduce_sum3A_826 = arith.constant dense<0.000000e+00> : vector<512xf32>
    %reduce_sum3A_827 = vector.multi_reduction <add>, %select_n3A_821, %reduce_sum3A_826 [0] : vector<128x512xf32> to vector<512xf32>
    %broadcast_in_dim3A_828 = vector.shape_cast %reduce_sum3A_827 : vector<512xf32> to vector<1x512xf32>
    %add3A_829 = arith.addf %add3A_812, %broadcast_in_dim3A_828 : vector<1x512xf32>
    %slice3A_830 = vector.extract_strided_slice %concatenate3A_701 {offsets = [256, 0], sizes = [128, 1], strides = [1, 1]} : vector<512x1xi32> to vector<128x1xi32>
    %eq3A_831 = vector.broadcast %slice3A_830 : vector<128x1xi32> to vector<128x512xi32>
    %eq3A_832 = arith.cmpi eq, %eq3A_831, %iota3A_599 : vector<128x512xi32>
    %slice3A_833 = vector.extract_strided_slice %convert_element_type3A_787 {offsets = [256, 0], sizes = [128, 1], strides = [1, 1]} : vector<512x1xf32> to vector<128x1xf32>
    %jit3A_834 = arith.constant 0.000000e+00 : f32
    %broadcast_in_dim3A_835 = vector.shape_cast %slice3A_833 : vector<128x1xf32> to vector<128x1xf32>
    %broadcast_in_dim3A_836 = vector.broadcast %broadcast_in_dim3A_835 : vector<128x1xf32> to vector<128x512xf32>
    %broadcast_in_dim3A_837 = vector.broadcast %jit3A_834 : f32 to vector<128x512xf32>
    %select_n3A_838 = arith.select %eq3A_832, %broadcast_in_dim3A_836, %broadcast_in_dim3A_837 : vector<128x512xi1>, vector<128x512xf32>
    %slice3A_839 = vector.extract_strided_slice %get3A_521 {offsets = [256, 0], sizes = [128, 96], strides = [1, 1]} : vector<512x96xf32> to vector<128x96xf32>
    %dot_general3A_840 = arith.constant dense<0.000000e+00> : vector<512x96xf32>
    %dot_general3A_841 = tpu.matmul %select_n3A_838, %slice3A_839, %dot_general3A_840 {dimension_numbers = #tpu.dot_dimension_numbers<[0], [0], [1], [1], [0, 1, 1, 1], [], []>, precision = #tpu.contract_precision<fp32>, transpose_lhs_hint = false} : vector<128x512xf32>, vector<128x96xf32>, vector<512x96xf32> -> vector<512x96xf32>
    %add3A_842 = arith.addf %add3A_825, %dot_general3A_841 : vector<512x96xf32>
    %reduce_sum3A_843 = arith.constant dense<0.000000e+00> : vector<512xf32>
    %reduce_sum3A_844 = vector.multi_reduction <add>, %select_n3A_838, %reduce_sum3A_843 [0] : vector<128x512xf32> to vector<512xf32>
    %broadcast_in_dim3A_845 = vector.shape_cast %reduce_sum3A_844 : vector<512xf32> to vector<1x512xf32>
    %add3A_846 = arith.addf %add3A_829, %broadcast_in_dim3A_845 : vector<1x512xf32>
    %slice3A_847 = vector.extract_strided_slice %concatenate3A_701 {offsets = [384, 0], sizes = [128, 1], strides = [1, 1]} : vector<512x1xi32> to vector<128x1xi32>
    %eq3A_848 = vector.broadcast %slice3A_847 : vector<128x1xi32> to vector<128x512xi32>
    %eq3A_849 = arith.cmpi eq, %eq3A_848, %iota3A_599 : vector<128x512xi32>
    %slice3A_850 = vector.extract_strided_slice %convert_element_type3A_787 {offsets = [384, 0], sizes = [128, 1], strides = [1, 1]} : vector<512x1xf32> to vector<128x1xf32>
    %jit3A_851 = arith.constant 0.000000e+00 : f32
    %broadcast_in_dim3A_852 = vector.shape_cast %slice3A_850 : vector<128x1xf32> to vector<128x1xf32>
    %broadcast_in_dim3A_853 = vector.broadcast %broadcast_in_dim3A_852 : vector<128x1xf32> to vector<128x512xf32>
    %broadcast_in_dim3A_854 = vector.broadcast %jit3A_851 : f32 to vector<128x512xf32>
    %select_n3A_855 = arith.select %eq3A_849, %broadcast_in_dim3A_853, %broadcast_in_dim3A_854 : vector<128x512xi1>, vector<128x512xf32>
    %slice3A_856 = vector.extract_strided_slice %get3A_521 {offsets = [384, 0], sizes = [128, 96], strides = [1, 1]} : vector<512x96xf32> to vector<128x96xf32>
    %dot_general3A_857 = arith.constant dense<0.000000e+00> : vector<512x96xf32>
    %dot_general3A_858 = tpu.matmul %select_n3A_855, %slice3A_856, %dot_general3A_857 {dimension_numbers = #tpu.dot_dimension_numbers<[0], [0], [1], [1], [0, 1, 1, 1], [], []>, precision = #tpu.contract_precision<fp32>, transpose_lhs_hint = false} : vector<128x512xf32>, vector<128x96xf32>, vector<512x96xf32> -> vector<512x96xf32>
    %add3A_859 = arith.addf %add3A_842, %dot_general3A_858 : vector<512x96xf32>
    %reduce_sum3A_860 = arith.constant dense<0.000000e+00> : vector<512xf32>
    %reduce_sum3A_861 = vector.multi_reduction <add>, %select_n3A_855, %reduce_sum3A_860 [0] : vector<128x512xf32> to vector<512xf32>
    %broadcast_in_dim3A_862 = vector.shape_cast %reduce_sum3A_861 : vector<512xf32> to vector<1x512xf32>
    %add3A_863 = arith.addf %add3A_846, %broadcast_in_dim3A_862 : vector<1x512xf32>
    %add3A_864 = arith.addf %get3A_516, %add3A_859 : vector<512x96xf32>
    %transpose3A_865 = tpu.transpose %add3A_863, [1, 0] : vector<1x512xf32> -> vector<512x1xf32>
    %add3A_866 = arith.constant 1.000000e+00 : f32
    %add3A_867 = vector.broadcast %add3A_866 : f32 to vector<512x1xf32>
    %add3A_868 = arith.addf %add3A_867, %transpose3A_865 : vector<512x1xf32>
    %div3A_869 = vector.broadcast %add3A_868 : vector<512x1xf32> to vector<512x96xf32>
    %div3A_870 = arith.divf %add3A_864, %div3A_869 : vector<512x96xf32>
    %broadcast_in_dim3A_871 = arith.constant 0.000000e+00 : f32
    %broadcast_in_dim3A_872 = vector.broadcast %broadcast_in_dim3A_871 : f32 to vector<512x1xf32>
    %add3A_873 = arith.constant 0 : i32
    %add3A_874 = vector.broadcast %add3A_873 : i32 to vector<512x128xi32>
    %add3A_875 = arith.addi %add3A_874, %iota3A_704 : vector<512x128xi32>
    %lt3A_876 = arith.cmpi slt, %add3A_875, %iota3A_703 : vector<512x128xi32>
    %slice3A_877 = vector.extract_strided_slice %sub3A_791 {offsets = [0, 0], sizes = [1, 128], strides = [1, 1]} : vector<1x512xf32> to vector<1x128xf32>
    %jit3A_878 = arith.constant 0.000000e+00 : f32
    %broadcast_in_dim3A_879 = vector.shape_cast %slice3A_877 : vector<1x128xf32> to vector<1x128xf32>
    %broadcast_in_dim3A_880 = vector.broadcast %broadcast_in_dim3A_879 : vector<1x128xf32> to vector<512x128xf32>
    %broadcast_in_dim3A_881 = vector.broadcast %jit3A_878 : f32 to vector<512x128xf32>
    %select_n3A_882 = arith.select %lt3A_876, %broadcast_in_dim3A_880, %broadcast_in_dim3A_881 : vector<512x128xi1>, vector<512x128xf32>
    %reduce_sum3A_883 = arith.constant dense<0.000000e+00> : vector<512xf32>
    %reduce_sum3A_884 = vector.multi_reduction <add>, %select_n3A_882, %reduce_sum3A_883 [1] : vector<512x128xf32> to vector<512xf32>
    %broadcast_in_dim3A_885 = vector.shape_cast %reduce_sum3A_884 : vector<512xf32> to vector<512x1xf32>
    %add3A_886 = arith.addf %broadcast_in_dim3A_872, %broadcast_in_dim3A_885 : vector<512x1xf32>
    %add3A_887 = arith.constant 128 : i32
    %add3A_888 = vector.broadcast %add3A_887 : i32 to vector<512x128xi32>
    %add3A_889 = arith.addi %add3A_888, %iota3A_704 : vector<512x128xi32>
    %lt3A_890 = arith.cmpi slt, %add3A_889, %iota3A_703 : vector<512x128xi32>
    %slice3A_891 = vector.extract_strided_slice %sub3A_791 {offsets = [0, 128], sizes = [1, 128], strides = [1, 1]} : vector<1x512xf32> to vector<1x128xf32>
    %jit3A_892 = arith.constant 0.000000e+00 : f32
    %broadcast_in_dim3A_893 = vector.shape_cast %slice3A_891 : vector<1x128xf32> to vector<1x128xf32>
    %broadcast_in_dim3A_894 = vector.broadcast %broadcast_in_dim3A_893 : vector<1x128xf32> to vector<512x128xf32>
    %broadcast_in_dim3A_895 = vector.broadcast %jit3A_892 : f32 to vector<512x128xf32>
    %select_n3A_896 = arith.select %lt3A_890, %broadcast_in_dim3A_894, %broadcast_in_dim3A_895 : vector<512x128xi1>, vector<512x128xf32>
    %reduce_sum3A_897 = arith.constant dense<0.000000e+00> : vector<512xf32>
    %reduce_sum3A_898 = vector.multi_reduction <add>, %select_n3A_896, %reduce_sum3A_897 [1] : vector<512x128xf32> to vector<512xf32>
    %broadcast_in_dim3A_899 = vector.shape_cast %reduce_sum3A_898 : vector<512xf32> to vector<512x1xf32>
    %add3A_900 = arith.addf %add3A_886, %broadcast_in_dim3A_899 : vector<512x1xf32>
    %add3A_901 = arith.constant 256 : i32
    %add3A_902 = vector.broadcast %add3A_901 : i32 to vector<512x128xi32>
    %add3A_903 = arith.addi %add3A_902, %iota3A_704 : vector<512x128xi32>
    %lt3A_904 = arith.cmpi slt, %add3A_903, %iota3A_703 : vector<512x128xi32>
    %slice3A_905 = vector.extract_strided_slice %sub3A_791 {offsets = [0, 256], sizes = [1, 128], strides = [1, 1]} : vector<1x512xf32> to vector<1x128xf32>
    %jit3A_906 = arith.constant 0.000000e+00 : f32
    %broadcast_in_dim3A_907 = vector.shape_cast %slice3A_905 : vector<1x128xf32> to vector<1x128xf32>
    %broadcast_in_dim3A_908 = vector.broadcast %broadcast_in_dim3A_907 : vector<1x128xf32> to vector<512x128xf32>
    %broadcast_in_dim3A_909 = vector.broadcast %jit3A_906 : f32 to vector<512x128xf32>
    %select_n3A_910 = arith.select %lt3A_904, %broadcast_in_dim3A_908, %broadcast_in_dim3A_909 : vector<512x128xi1>, vector<512x128xf32>
    %reduce_sum3A_911 = arith.constant dense<0.000000e+00> : vector<512xf32>
    %reduce_sum3A_912 = vector.multi_reduction <add>, %select_n3A_910, %reduce_sum3A_911 [1] : vector<512x128xf32> to vector<512xf32>
    %broadcast_in_dim3A_913 = vector.shape_cast %reduce_sum3A_912 : vector<512xf32> to vector<512x1xf32>
    %add3A_914 = arith.addf %add3A_900, %broadcast_in_dim3A_913 : vector<512x1xf32>
    %add3A_915 = arith.constant 384 : i32
    %add3A_916 = vector.broadcast %add3A_915 : i32 to vector<512x128xi32>
    %add3A_917 = arith.addi %add3A_916, %iota3A_704 : vector<512x128xi32>
    %lt3A_918 = arith.cmpi slt, %add3A_917, %iota3A_703 : vector<512x128xi32>
    %slice3A_919 = vector.extract_strided_slice %sub3A_791 {offsets = [0, 384], sizes = [1, 128], strides = [1, 1]} : vector<1x512xf32> to vector<1x128xf32>
    %jit3A_920 = arith.constant 0.000000e+00 : f32
    %broadcast_in_dim3A_921 = vector.shape_cast %slice3A_919 : vector<1x128xf32> to vector<1x128xf32>
    %broadcast_in_dim3A_922 = vector.broadcast %broadcast_in_dim3A_921 : vector<1x128xf32> to vector<512x128xf32>
    %broadcast_in_dim3A_923 = vector.broadcast %jit3A_920 : f32 to vector<512x128xf32>
    %select_n3A_924 = arith.select %lt3A_918, %broadcast_in_dim3A_922, %broadcast_in_dim3A_923 : vector<512x128xi1>, vector<512x128xf32>
    %reduce_sum3A_925 = arith.constant dense<0.000000e+00> : vector<512xf32>
    %reduce_sum3A_926 = vector.multi_reduction <add>, %select_n3A_924, %reduce_sum3A_925 [1] : vector<512x128xf32> to vector<512xf32>
    %broadcast_in_dim3A_927 = vector.shape_cast %reduce_sum3A_926 : vector<512xf32> to vector<512x1xf32>
    %add3A_928 = arith.addf %add3A_914, %broadcast_in_dim3A_927 : vector<512x1xf32>
    %convert_element_type3A_929 = arith.fptosi %add3A_928 : vector<512x1xf32> to vector<512x1xi32>
    %transpose3A_930 = tpu.transpose %convert_element_type3A_929, [1, 0] : vector<512x1xi32> -> vector<1x512xi32>
    %iota3A_931 = tpu.iota {dimensions = array<i32: 0>} : vector<512x1xi32>
    %convert_element_type3A_932 = arith.sitofp %iota3A_931 : vector<512x1xi32> to vector<512x1xf32>
    %broadcast_in_dim3A_933 = arith.constant 0.000000e+00 : f32
    %broadcast_in_dim3A_934 = vector.broadcast %broadcast_in_dim3A_933 : f32 to vector<256x1xf32>
    %iota3A_935 = tpu.iota {dimensions = array<i32: 0>} : vector<256x128xi32>
    %slice3A_936 = vector.extract_strided_slice %transpose3A_930 {offsets = [0, 0], sizes = [1, 128], strides = [1, 1]} : vector<1x512xi32> to vector<1x128xi32>
    %eq3A_937 = vector.broadcast %slice3A_936 : vector<1x128xi32> to vector<256x128xi32>
    %eq3A_938 = arith.cmpi eq, %iota3A_935, %eq3A_937 : vector<256x128xi32>
    %slice3A_939 = vector.extract_strided_slice %sub3A_791 {offsets = [0, 0], sizes = [1, 128], strides = [1, 1]} : vector<1x512xf32> to vector<1x128xf32>
    %gt3A_940 = arith.constant 5.000000e-01 : f32
    %gt3A_941 = vector.broadcast %gt3A_940 : f32 to vector<1x128xf32>
    %gt3A_942 = arith.cmpf ogt, %slice3A_939, %gt3A_941 : vector<1x128xf32>
    %and3A_943 = vector.broadcast %gt3A_942 : vector<1x128xi1> to vector<256x128xi1>
    %and3A_944 = arith.andi %eq3A_938, %and3A_943 : vector<256x128xi1>
    %jit3A_945 = arith.constant 1.000000e+00 : f32
    %jit3A_946 = arith.constant 0.000000e+00 : f32
    %broadcast_in_dim3A_947 = vector.broadcast %jit3A_945 : f32 to vector<256x128xf32>
    %broadcast_in_dim3A_948 = vector.broadcast %jit3A_946 : f32 to vector<256x128xf32>
    %select_n3A_949 = arith.select %and3A_944, %broadcast_in_dim3A_947, %broadcast_in_dim3A_948 : vector<256x128xi1>, vector<256x128xf32>
    %slice3A_950 = vector.extract_strided_slice %convert_element_type3A_932 {offsets = [0, 0], sizes = [128, 1], strides = [1, 1]} : vector<512x1xf32> to vector<128x1xf32>
    %dot_general3A_951 = arith.constant dense<0.000000e+00> : vector<256x1xf32>
    %dot_general3A_952 = tpu.matmul %select_n3A_949, %slice3A_950, %dot_general3A_951 {dimension_numbers = #tpu.dot_dimension_numbers<[1], [0], [0], [1], [0, 0, 1, 1], [], []>, precision = #tpu.contract_precision<fp32>, transpose_lhs_hint = false} : vector<256x128xf32>, vector<128x1xf32>, vector<256x1xf32> -> vector<256x1xf32>
    %add3A_953 = arith.addf %broadcast_in_dim3A_934, %dot_general3A_952 : vector<256x1xf32>
    %slice3A_954 = vector.extract_strided_slice %transpose3A_930 {offsets = [0, 128], sizes = [1, 128], strides = [1, 1]} : vector<1x512xi32> to vector<1x128xi32>
    %eq3A_955 = vector.broadcast %slice3A_954 : vector<1x128xi32> to vector<256x128xi32>
    %eq3A_956 = arith.cmpi eq, %iota3A_935, %eq3A_955 : vector<256x128xi32>
    %slice3A_957 = vector.extract_strided_slice %sub3A_791 {offsets = [0, 128], sizes = [1, 128], strides = [1, 1]} : vector<1x512xf32> to vector<1x128xf32>
    %gt3A_958 = arith.constant 5.000000e-01 : f32
    %gt3A_959 = vector.broadcast %gt3A_958 : f32 to vector<1x128xf32>
    %gt3A_960 = arith.cmpf ogt, %slice3A_957, %gt3A_959 : vector<1x128xf32>
    %and3A_961 = vector.broadcast %gt3A_960 : vector<1x128xi1> to vector<256x128xi1>
    %and3A_962 = arith.andi %eq3A_956, %and3A_961 : vector<256x128xi1>
    %jit3A_963 = arith.constant 1.000000e+00 : f32
    %jit3A_964 = arith.constant 0.000000e+00 : f32
    %broadcast_in_dim3A_965 = vector.broadcast %jit3A_963 : f32 to vector<256x128xf32>
    %broadcast_in_dim3A_966 = vector.broadcast %jit3A_964 : f32 to vector<256x128xf32>
    %select_n3A_967 = arith.select %and3A_962, %broadcast_in_dim3A_965, %broadcast_in_dim3A_966 : vector<256x128xi1>, vector<256x128xf32>
    %slice3A_968 = vector.extract_strided_slice %convert_element_type3A_932 {offsets = [128, 0], sizes = [128, 1], strides = [1, 1]} : vector<512x1xf32> to vector<128x1xf32>
    %dot_general3A_969 = arith.constant dense<0.000000e+00> : vector<256x1xf32>
    %dot_general3A_970 = tpu.matmul %select_n3A_967, %slice3A_968, %dot_general3A_969 {dimension_numbers = #tpu.dot_dimension_numbers<[1], [0], [0], [1], [0, 0, 1, 1], [], []>, precision = #tpu.contract_precision<fp32>, transpose_lhs_hint = false} : vector<256x128xf32>, vector<128x1xf32>, vector<256x1xf32> -> vector<256x1xf32>
    %add3A_971 = arith.addf %add3A_953, %dot_general3A_970 : vector<256x1xf32>
    %slice3A_972 = vector.extract_strided_slice %transpose3A_930 {offsets = [0, 256], sizes = [1, 128], strides = [1, 1]} : vector<1x512xi32> to vector<1x128xi32>
    %eq3A_973 = vector.broadcast %slice3A_972 : vector<1x128xi32> to vector<256x128xi32>
    %eq3A_974 = arith.cmpi eq, %iota3A_935, %eq3A_973 : vector<256x128xi32>
    %slice3A_975 = vector.extract_strided_slice %sub3A_791 {offsets = [0, 256], sizes = [1, 128], strides = [1, 1]} : vector<1x512xf32> to vector<1x128xf32>
    %gt3A_976 = arith.constant 5.000000e-01 : f32
    %gt3A_977 = vector.broadcast %gt3A_976 : f32 to vector<1x128xf32>
    %gt3A_978 = arith.cmpf ogt, %slice3A_975, %gt3A_977 : vector<1x128xf32>
    %and3A_979 = vector.broadcast %gt3A_978 : vector<1x128xi1> to vector<256x128xi1>
    %and3A_980 = arith.andi %eq3A_974, %and3A_979 : vector<256x128xi1>
    %jit3A_981 = arith.constant 1.000000e+00 : f32
    %jit3A_982 = arith.constant 0.000000e+00 : f32
    %broadcast_in_dim3A_983 = vector.broadcast %jit3A_981 : f32 to vector<256x128xf32>
    %broadcast_in_dim3A_984 = vector.broadcast %jit3A_982 : f32 to vector<256x128xf32>
    %select_n3A_985 = arith.select %and3A_980, %broadcast_in_dim3A_983, %broadcast_in_dim3A_984 : vector<256x128xi1>, vector<256x128xf32>
    %slice3A_986 = vector.extract_strided_slice %convert_element_type3A_932 {offsets = [256, 0], sizes = [128, 1], strides = [1, 1]} : vector<512x1xf32> to vector<128x1xf32>
    %dot_general3A_987 = arith.constant dense<0.000000e+00> : vector<256x1xf32>
    %dot_general3A_988 = tpu.matmul %select_n3A_985, %slice3A_986, %dot_general3A_987 {dimension_numbers = #tpu.dot_dimension_numbers<[1], [0], [0], [1], [0, 0, 1, 1], [], []>, precision = #tpu.contract_precision<fp32>, transpose_lhs_hint = false} : vector<256x128xf32>, vector<128x1xf32>, vector<256x1xf32> -> vector<256x1xf32>
    %add3A_989 = arith.addf %add3A_971, %dot_general3A_988 : vector<256x1xf32>
    %slice3A_990 = vector.extract_strided_slice %transpose3A_930 {offsets = [0, 384], sizes = [1, 128], strides = [1, 1]} : vector<1x512xi32> to vector<1x128xi32>
    %eq3A_991 = vector.broadcast %slice3A_990 : vector<1x128xi32> to vector<256x128xi32>
    %eq3A_992 = arith.cmpi eq, %iota3A_935, %eq3A_991 : vector<256x128xi32>
    %slice3A_993 = vector.extract_strided_slice %sub3A_791 {offsets = [0, 384], sizes = [1, 128], strides = [1, 1]} : vector<1x512xf32> to vector<1x128xf32>
    %gt3A_994 = arith.constant 5.000000e-01 : f32
    %gt3A_995 = vector.broadcast %gt3A_994 : f32 to vector<1x128xf32>
    %gt3A_996 = arith.cmpf ogt, %slice3A_993, %gt3A_995 : vector<1x128xf32>
    %and3A_997 = vector.broadcast %gt3A_996 : vector<1x128xi1> to vector<256x128xi1>
    %and3A_998 = arith.andi %eq3A_992, %and3A_997 : vector<256x128xi1>
    %jit3A_999 = arith.constant 1.000000e+00 : f32
    %jit3A_1000 = arith.constant 0.000000e+00 : f32
    %broadcast_in_dim3A_1001 = vector.broadcast %jit3A_999 : f32 to vector<256x128xf32>
    %broadcast_in_dim3A_1002 = vector.broadcast %jit3A_1000 : f32 to vector<256x128xf32>
    %select_n3A_1003 = arith.select %and3A_998, %broadcast_in_dim3A_1001, %broadcast_in_dim3A_1002 : vector<256x128xi1>, vector<256x128xf32>
    %slice3A_1004 = vector.extract_strided_slice %convert_element_type3A_932 {offsets = [384, 0], sizes = [128, 1], strides = [1, 1]} : vector<512x1xf32> to vector<128x1xf32>
    %dot_general3A_1005 = arith.constant dense<0.000000e+00> : vector<256x1xf32>
    %dot_general3A_1006 = tpu.matmul %select_n3A_1003, %slice3A_1004, %dot_general3A_1005 {dimension_numbers = #tpu.dot_dimension_numbers<[1], [0], [0], [1], [0, 0, 1, 1], [], []>, precision = #tpu.contract_precision<fp32>, transpose_lhs_hint = false} : vector<256x128xf32>, vector<128x1xf32>, vector<256x1xf32> -> vector<256x1xf32>
    %add3A_1007 = arith.addf %add3A_989, %dot_general3A_1006 : vector<256x1xf32>
    %convert_element_type3A_1008 = arith.fptosi %add3A_1007 : vector<256x1xf32> to vector<256x1xi32>
    %mul3A_1009 = arith.constant 512 : i32
    %mul3A_1010 = arith.muli %add3A_506, %mul3A_1009 : i32
    %add3A_1011 = vector.broadcast %mul3A_1010 : i32 to vector<256x1xi32>
    %add3A_1012 = arith.addi %convert_element_type3A_1008, %add3A_1011 : vector<256x1xi32>
    %concatenate3A_1013 = tpu.concatenate %get3A_511, %div3A_870 in 0 : vector<1x96xf32>, vector<512x96xf32> -> vector<513x96xf32>
    %swap3A_1014 = arith.constant 1 : index
    %swap3A_1015 = arith.constant 0 : index
    %swap3A_1016 = arith.constant 0 : index
    %swap3A_1017 = vector.load %arg6[%swap3A_1014, %swap3A_1015, %swap3A_1016] : memref<2x513x96xf32, #tpu.memory_space<vmem>>, vector<1x513x96xf32>
    %swap3A_1018 = vector.shape_cast %swap3A_1017 : vector<1x513x96xf32> to vector<513x96xf32>
    %swap3A_1019 = vector.shape_cast %concatenate3A_1013 : vector<513x96xf32> to vector<1x513x96xf32>
    tpu.vector_store %arg6[%swap3A_1014, %swap3A_1015, %swap3A_1016], %swap3A_1019 {strides = array<i32>} : memref<2x513x96xf32, #tpu.memory_space<vmem>>, vector<1x513x96xf32>,
    %swap3A_1020 = arith.constant 1 : index
    %swap3A_1021 = arith.constant 0 : index
    %swap3A_1022 = arith.constant 0 : index
    %swap3A_1023 = vector.load %arg7[%swap3A_1020, %swap3A_1021, %swap3A_1022] : memref<2x256x1xi32, #tpu.memory_space<vmem>>, vector<1x256x1xi32>
    %swap3A_1024 = vector.shape_cast %swap3A_1023 : vector<1x256x1xi32> to vector<256x1xi32>
    %swap3A_1025 = vector.shape_cast %add3A_1012 : vector<256x1xi32> to vector<1x256x1xi32>
    tpu.vector_store %arg7[%swap3A_1020, %swap3A_1021, %swap3A_1022], %swap3A_1025 {strides = array<i32>} : memref<2x256x1xi32, #tpu.memory_space<vmem>>, vector<1x256x1xi32>,
    return
  }
  func.func @transform_0(%arg0: i32) -> (i32, i32, i32) {
    %c0_i32 = arith.constant 0 : i32
    %c0_i32_0 = arith.constant 0 : i32
    %c0_i32_1 = arith.constant 0 : i32
    return %arg0, %c0_i32, %c0_i32_0 : i32, i32, i32
  }
  func.func @transform_1(%arg0: i32) -> (i32, i32, i32) {
    %c0_i32 = arith.constant 0 : i32
    %c0_i32_0 = arith.constant 0 : i32
    %c0_i32_1 = arith.constant 0 : i32
    return %arg0, %c0_i32, %c0_i32_0 : i32, i32, i32
  }
  func.func @transform_2(%arg0: i32) -> (i32, i32, i32) {
    %c0_i32 = arith.constant 0 : i32
    %c0_i32_0 = arith.constant 0 : i32
    %c0_i32_1 = arith.constant 0 : i32
    return %arg0, %c0_i32, %c0_i32_0 : i32, i32, i32
  }
  func.func @transform_3(%arg0: i32) -> (i32, i32) {
    %c0_i32 = arith.constant 0 : i32
    %c0_i32_0 = arith.constant 0 : i32
    %c0_i32_1 = arith.constant 0 : i32
    return %c0_i32, %c0_i32_0 : i32, i32
  }
  func.func @transform_4(%arg0: i32) -> (i32, i32) {
    %c0_i32 = arith.constant 0 : i32
    %c0_i32_0 = arith.constant 0 : i32
    %c0_i32_1 = arith.constant 0 : i32
    return %c0_i32, %c0_i32_0 : i32, i32
  }
  func.func @transform_5(%arg0: i32) -> (i32, i32, i32) {
    %c0_i32 = arith.constant 0 : i32
    %c0_i32_0 = arith.constant 0 : i32
    %c0_i32_1 = arith.constant 0 : i32
    return %arg0, %c0_i32, %c0_i32_0 : i32, i32, i32
  }
  func.func @transform_6(%arg0: i32) -> (i32, i32, i32) {
    %c0_i32 = arith.constant 0 : i32
    %c0_i32_0 = arith.constant 0 : i32
    %c0_i32_1 = arith.constant 0 : i32
    return %arg0, %c0_i32, %c0_i32_0 : i32, i32, i32
  }
}

</mosaic_0001>

<sc_bundles>
// kernel: kernel.4.cloned.1.call-start
scs
__scs_entry_jumppad:
0x0: {  	(pc) =	sbr.rel $0x88, $3  }
0x1: {  	(tag) =	ssettag $0x0;
	lr =	simm.s32 $0x1  }
0x2: {  	[smem:$0x3FA0] =	sst lr;
	_ =	strace $0xD0000000  }
0x3: {  	_ = 	snop  }
0x4: {  	_ = 	snop  }
0x5: {  	_ = 	snop  }
0x6: {  	_ = 	snop  }
0x7: {  	_ = 	snop  }
__scs_overlays_trampoline_lowered:
0x8: {  	[smem:$0x3FAF] =	sst s0  }
0x9: {  	[smem:$0x3FB0] =	sst s1  }
0xa: {  	[smem:$0x3FB1] =	sst s2  }
0xb: {  	[smem:$0x3FB2] =	sst s3  }
0xc: {  	[smem:$0x3FB3] =	sst s4  }
0xd: {  	[smem:$0x3FB4] =	sst s5  }
0xe: {  	[smem:$0x3FB5] =	sst s6  }
0xf: {  	[smem:$0x3FB6] =	sst s7  }
0x10: {  	[smem:$0x3FB7] =	sst s8  }
0x11: {  	[smem:$0x3FB8] =	sst s9;
	s0 =	simm.s32 @!p0 $0x0  }
0x12: {  	s1 =	sld [smem:$0x3F9E];
	s0 =	simm.s32 @p0 $0x1  }
0x13: {  	[smem:$0x3FB9] =	sst s0;
	s0 =	simm.s32 @!p1 $0x0  }
0x14: {  	s2 =	sld [smem:$0x3F9D];
	s0 =	simm.s32 @p1 $0x1  }
0x15: {  	[smem:$0x3FBA] =	sst s0;
	s0 =	simm.s32 @!p2 $0x0  }
0x16: {  	s3 =	sld [smem:$0x3FDB];
	s0 =	simm.s32 @p2 $0x1  }
0x17: {  	s4 =	simm.s32 $0x1BF5;
	[smem:$0x3FBC] =	sst s0  }
0x18: {  	s0 =	sld [smem:$0x3F9F];
	_ =	swait.ge [sflag:s4], $0x0  }
0x19: {  	s7 =	sld [smem:$0x3FA0]  }
0x1a: {  	s8 =	sadd.s32 $0xFFFFE003, lr  }
0x1b: {  	s9 =	sadd.s32 $0xFFFFFEF7, lr;
	s5 =	simm.s32 $0xFFFFFFFF;
	p2 =	slt.u32 s8, $0xFFFFF086  }
0x1c: {  	p1 =	slt.u32 s9, $0xF7A;
	s5 =	simm.s32 @!p2 $0x0  }
0x1d: {  	s5 =	simm.s32 @p1 $0x1;
	p0 =	seq.s32 s7, s2  }
0x1e: {  	s7 =	smul.u32 @!p0 $0xF7A, s2;
	p2 =	seq.s32 @!p0 s5, $0x0  }
0x1f: {  	s9 =	smul.u32 $0xF7A, s1;
	s8 =	simm.s32 @!p0 $0x1BF5;
	p2 =	por !p2, p0  }
0x20: {  	[sflag:s8] =	ssyncset.s32 @!p0 $0xFFFFF086;
	s6 =	sadd.s32 @!p0 s3, s7;
	s7 =	simm.s32 @!p0 $0x108  }
0x21: {  	s3 =	sadd.s32 s3, s9;
	s6 =	sadd.s32 @!p0 $0x88, s6;
	s7 =	simm.s32 @p2 $0x1082  }
0x22: {  	[simem:s7], [sflag:s8] =	dma.local @!p0 [hbm:s6], $0xF7A  }
0x23: {  	s9 =	sor.u32 $0xD0000000, s2;
	s6 =	simm.s32 $0x108;
	_ =	swait.ge @!p0 [sflag:s8], $0x0  }
0x24: {  	s3 =	sadd.s32 $0x88, s3;
	s6 =	simm.s32 @!p1 $0x1082;
	[sflag:s4] =	ssyncset.s32 $0xFFFFF086  }
0x25: {  	[simem:s6], [sflag:s4] =	dma.local [hbm:s3], $0xF7A  }
0x26: {  	[smem:$0x3FA0] =	sst s1;
	(tag) =	ssettag s2;
	_ =	strace s9  }
0x27: {  	s1 =	sld [smem:$0x3FB0]  }
0x28: {  	s2 =	sld [smem:$0x3FB1]  }
0x29: {  	s4 =	sld [smem:$0x3FB3]  }
0x2a: {  	p0 =	seq.s32 s5, $0x0;
	s5 =	sld [smem:$0x3FB4]  }
0x2b: {  	s6 =	sld [smem:$0x3FB5]  }
0x2c: {  	s7 =	sld [smem:$0x3FB6]  }
0x2d: {  	s3 =	simm.s32 $0x108;
	s8 =	sld [smem:$0x3FB7]  }
0x2e: {  	s3 =	simm.s32 @!p0 $0x1082;
	s9 =	sld [smem:$0x3FB8]  }
0x2f: {  	lr =	sadd.s32 s0, s3;
	s0 =	sld [smem:$0x3FAF]  }
0x30: {  	s3 =	sld [smem:$0x3FB2]  }
0x31: {  	[smem:$0x3FBB] =	sst s10  }
0x32: {  	s10 =	sld [smem:$0x3FB9];
	_ =	sdelay $0x3  }
0x33: {  	p0 =	seq.s32 s10, $0x1;
	s10 =	sld [smem:$0x3FBB];
	_ =	sdelay $0x3  }
0x34: {  	[smem:$0x3FBB] =	sst s10  }
0x35: {  	s10 =	sld [smem:$0x3FBA];
	_ =	sdelay $0x3  }
0x36: {  	p1 =	seq.s32 s10, $0x1;
	s10 =	sld [smem:$0x3FBB];
	_ =	sdelay $0x3  }
0x37: {  	[smem:$0x3FBB] =	sst s10  }
0x38: {  	s10 =	sld [smem:$0x3FBC]  }
0x39: {  	_ = 	snop;
	(pc) =	sbr.ind lr, $3  }
0x3a: {  	_ = 	snop  }
0x3b: {  	_ = 	snop  }
0x3c: {  	p2 =	seq.s32 s10, $0x1;
	s10 =	sld [smem:$0x3FBB]  }
0x3d: {  	_ =	shalt  }
0x3e: {  	_ =	shalt  }
0x3f: {  	_ =	shalt  }
0x40: {  	_ =	shalt  }
0x41: {  	_ =	shalt  }
0x42: {  	_ =	shalt  }
0x43: {  	_ =	shalt  }
0x44: {  	_ =	shalt  }
0x45: {  	_ =	shalt  }
0x46: {  	_ =	shalt  }
0x47: {  	_ =	shalt  }
0x48: {  	_ =	shalt  }
0x49: {  	_ =	shalt  }
0x4a: {  	_ =	shalt  }
0x4b: {  	_ =	shalt  }
0x4c: {  	_ =	shalt  }
0x4d: {  	_ =	shalt  }
0x4e: {  	_ =	shalt  }
0x4f: {  	_ =	shalt  }
0x50: {  	_ =	shalt  }
0x51: {  	_ =	shalt  }
0x52: {  	_ =	shalt  }
0x53: {  	_ =	shalt  }
0x54: {  	_ =	shalt  }
0x55: {  	_ =	shalt  }
0x56: {  	_ =	shalt  }
0x57: {  	_ =	shalt  }
0x58: {  	_ =	shalt  }
0x59: {  	_ =	shalt  }
0x5a: {  	_ =	shalt  }
0x5b: {  	_ =	shalt  }
0x5c: {  	_ =	shalt  }
0x5d: {  	_ =	shalt  }
0x5e: {  	_ =	shalt  }
0x5f: {  	_ =	shalt  }
0x60: {  	_ =	shalt  }
0x61: {  	_ =	shalt  }
0x62: {  	_ =	shalt  }
0x63: {  	_ =	shalt  }
0x64: {  	_ =	shalt  }
0x65: {  	_ =	shalt  }
0x66: {  	_ =	shalt  }
0x67: {  	_ =	shalt  }
0x68: {  	_ =	shalt  }
0x69: {  	_ =	shalt  }
0x6a: {  	_ =	shalt  }
0x6b: {  	_ =	shalt  }
0x6c: {  	_ =	shalt  }
0x6d: {  	_ =	shalt  }
0x6e: {  	_ =	shalt  }
0x6f: {  	_ =	shalt  }
0x70: {  	_ =	shalt  }
0x71: {  	_ =	shalt  }
0x72: {  	_ =	shalt  }
0x73: {  	_ =	shalt  }
0x74: {  	_ =	shalt  }
0x75: {  	_ =	shalt  }
0x76: {  	_ =	shalt  }
0x77: {  	_ =	shalt  }
0x78: {  	_ =	shalt  }
0x79: {  	_ =	shalt  }
0x7a: {  	_ =	shalt  }
0x7b: {  	_ =	shalt  }
0x7c: {  	_ =	shalt  }
0x7d: {  	_ =	shalt  }
0x7e: {  	_ =	shalt  }
0x7f: {  	_ =	shalt  }
0x80: {  	_ =	shalt  }
0x81: {  	_ =	shalt  }
0x82: {  	_ =	shalt  }
0x83: {  	_ =	shalt  }
0x84: {  	_ =	shalt  }
0x85: {  	_ =	shalt  }
0x86: {  	_ =	shalt  }
0x87: {  	_ =	shalt  }
.Lfunc_end0:
.L_simem_size_0:
called_computation.1_lowered:
.L_overlay_start_0:
0x88: {  	s2 =	sld [smem:$0x3FD9]  }
0x89: {  	s3 =	sld [smem:$0x3FFE];
	_ =	sdelay $0x1  }
0x8a: {  	s1 =	srdreg.scid  }
0x8b: {  	s0 =	sand.u32 $0x1, s1  }
0x8c: {  	s16 =	sshll.u32 s0, $0xA;
	s2 =	sadd.s32 s3, s2  }
0x8d: {  	s2 =	sadd.s32 s2, s16  }
0x8e: {  	[smem:$0x3FC7] =	sst s2  }
0x8f: {  	_ = 	snop  }
0x90: {  	(tm) =	ssettm $0x1  }
0x91: {  	s17 =	sld [smem:$0x3FFB];
	_ =	sdelay $0x3  }
0x92: {  	_ =	strace s17  }
0x93: {  	s2 =	sld [smem:$0x3FFC];
	_ =	sdelay $0x3  }
0x94: {  	_ =	strace s2  }
0x95: {  	s2 =	sld [smem:$0x3FFD];
	_ =	sdelay $0x3  }
0x96: {  	_ =	strace s2  }
0x97: {  	_ =	strace $0x8FFFFFFF  }
0x98: {  	s18 =	sld [smem:$0x3FDB];
	_ =	sdelay $0x1  }
0x99: {  	s19 =	simm.s32 $_scs_section_size  }
0x9a: {  	s4 =	simm.s32 $_size__tile_overlayer_lowered;
	s5 =	simm.s32 $_tile_overlayer_lowered  }
0x9b: {  	s22 =	simm.s32 $0x1BFF;
	s21 =	sshll.u32 s5, $0x1;
	s2 =	sadd.s32 s19, s18  }
0x9c: {  	s6 =	simm.s32 $0x0;
	s20 =	sshll.u32 s4, $0x1;
	s4 =	sadd.s32 s21, s2  }
0x9d: {  	[timem:s6], [sflag:s22] =	dma.local [hbm:s4], s20  }
0x9e: {  	_ =	swait.ge [sflag:s22], s20  }
0x9f: {  	s3 =	ssub.s32 $0x0, s20;
	[sflag:s22] =	ssyncset.done $0x0  }
0xa0: {  	[sflag:s22] =	ssyncadd.s32 s3;
	_ =	sdelay $0x1  }
0xa1: {  	s23 =	simm.s32 $0x1B8B  }
0xa2: {  	_ =	swait.ge [sflag:s23], $0x1  }
0xa3: {  	[sflag:s23] =	ssyncset.done $0x0  }
0xa4: {  	s25 =	simm.s32 $0x1B8E;
	s24 =	sld [smem:$0x3FFE];
	[sflag:s23] =	ssyncadd.s32 $0xFFFFFFFF  }
0xa5: {  	s26 =	simm.s32 $execute0_lowered;
	[smem:$0x3FD2] =	sst s25  }
0xa6: {  	s4 =	sshll.u32 s26, $0x1;
	_ =	strace $0x80000046;
	[dreg:$0x1] =	wrdreg $0xFFFFFFFF  }
0xa7: {  	s28 =	simm.s32 $_size_execute0_lowered;
	s2 =	sadd.s32 s2, s4;
	[dreg:$0x0] =	wrdreg $0x0  }
0xa8: {  	s4 =	sshll.u32 s28, $0x1;
	[dreg:$0x2] =	wrdreg s2  }
0xa9: {  	[dreg:$0x3] =	wrdreg s4  }
0xaa: {  	[dreg:$0x4] =	wrdreg $0xC0  }
0xab: {  	_ =	task [dreg:s6], $0x5FFFF  }
0xac: {  	[dreg:$0x1] =	wrdreg $0xFFFFFFFF  }
0xad: {  	[dreg:$0x0] =	wrdreg $0x60  }
0xae: {  	[dreg:$0x2] =	wrdreg s24  }
0xaf: {  	[dreg:$0x3] =	wrdreg $0x9  }
0xb0: {  	_ =	task.clear_ibuf [dreg:s6], $0x4FFFF;
	_ =	strace $0x90000046  }
0xb1: {  	s29 =	simm.s32 $0x9;
	_ =	strace $0x80000048  }
0xb2: {  	_ =	swait.ge [sflag:s29], $0x1  }
0xb3: {  	[sflag:s29] =	ssyncadd.s32 $0xFFFFFFFF  }
0xb4: {  	_ =	strace $0x90000048  }
0xb5: {  	_ =	sfence  }
0xb6: {  	s30 =	sld [smem:$0x0];
	_ =	sdelay $0x2  }
0xb7: {  	s31 =	sshll.u32 s1, $0xD;
	s1 =	sshrl.u32 s1, $0x2  }
0xb8: {  	s3 =	sand.u32 $0x4000, s31;
	s1 =	sadd.s32 s1, s30  }
0xb9: {  	s0 =	sor.u32 s3, s0;
	s1 =	sshll.u32 s1, $0x11  }
0xba: {  	s0 =	sor.u32 s1, s0  }
0xbb: {  	s0 =	sadd.s32 $0x8F2B, s0  }
0xbc: {  	[sflag:s0] =	ssyncadd.remote.s32 $0x1  }
0xbd: {  	_ =	sfence.sel $0xFFFF  }
0xbe: {  	[dreg:$0x0] =	wrdreg $0xFFFFFFFF;
	(pc) =	sbr.abs _section_cstart, $3  }
0xbf: {  	[dreg:$0x1] =	wrdreg $0xFFFFFFFF  }
0xc0: {  	_ =	task.clear_ibuf [dreg:s6], $0x2FFFF;
	_ =	strace $0x9FFFFFFF  }
0xc1: {  	(tm) =	ssettm $0x7FFFFFFF  }
tec
execute0_lowered:
.L_overlay_start_1:
0x0: {  	(tag) =	ssettag $0x1  }
0x1: {  	s1 =	srdreg.scid  }
0x2: {  	s0 =	stileid.u32;
	s16 =	sand.u32 $0x1, s1  }
0x3: {  	s10 =	rddreg [dreg:$0x0];
	s3 =	sshll.u32 s0, $0x3;
	s4 =	sshll.u32 s16, $0x2  }
0x4: {  	s2 =	simm.s32 $0x0;
	s1 =	rddreg [dreg:$0x1];
	s17 =	sor.u32 s4, s3  }
0x5: {  	[smem:$0x7FF] =	sst s2;
	s15 =	sadd.s32 $0x1400, s10;
	s3 =	sshll.u32 s17, $0x5  }
0x6: {  	_ =	strace $0x80000047;
	s4 =	sadd.s32 s15, s3;
	s3 =	simm.s32 $0x2  }
0x7: {  	[tilespmem:s2], [sflag:$0x2] =	stream.linear.gather [hbm4b:s4+s2], $0x100, $0x38;
	[tilespmem:$0x6100] =	vst v63  }
0x8: {  	_ =	swait.ge [sflag:s3], $0x100  }
0x9: {  	s6 =	simm.s32 $0x80;
	s7 =	simm.s32 $0x100;
	[sflag:s3] =	ssyncset.done $0x0  }
0xa: {  	s8 =	simm.s32 $0x1;
	s5 =	sadd.s32 $0x2400, s10;
	[sflag:s3] =	ssyncadd.s32 $0xFFFFFF00  }
0xb: {  	[tilespmem:s7], [sflag:$0x1] =	stream.indirect.gather [hbm4b:s5+s6], $0x60, s2, s6, $0xb8;
	[tilespmem:$0x6100] =	vst v63  }
0xc: {  	_ =	swait.ge [sflag:s8], $0x3000  }
0xd: {  	[sflag:s8] =	ssyncset.done $0x0  }
0xe: {  	s9 =	simm.s32 $0x3100;
	[sflag:s8] =	ssyncadd.s32 $0xFFFFD000  }
0xf: {  	[tilespmem:s9], [sflag:$0x1] =	stream.indirect.gather [hbm4b:s5+s6], $0x60, s6, s6, $0xb8;
	[tilespmem:$0x6100] =	vst v63  }
0x10: {  	s11 =	smul.u32 $0xC00, s17;
	_ =	swait.ge [sflag:s8], $0x3000  }
0x11: {  	s18 =	sadd.s32 $0xC2400, s10;
	[sflag:s8] =	ssyncset.done $0x0  }
0x12: {  	s10 =	sadd.s32 s18, s11;
	[sflag:s8] =	ssyncadd.s32 $0xFFFFD000  }
0x13: {  	[hbm4b:s10+s2] =	stream.linear.scatter [tilespmem:s7], [sflag:$0x2], $0x6000, $0x38;
	[tilespmem:$0x6100] =	vst v63  }
0x14: {  	s12 =	sor.u32 $0x1, s17;
	_ =	swait.ge [sflag:s3], $0x6000  }
0x15: {  	s29 =	sshll.u32 s12, $0x5;
	[sflag:s3] =	ssyncset.done $0x0  }
0x16: {  	s11 =	sadd.s32 s15, s29;
	[sflag:s3] =	ssyncadd.s32 $0xFFFFA000  }
0x17: {  	[tilespmem:s2], [sflag:$0x2] =	stream.linear.gather [hbm4b:s11+s2], $0x100, $0x38;
	[tilespmem:$0x6100] =	vst v63  }
0x18: {  	_ =	swait.ge [sflag:s3], $0x100  }
0x19: {  	[sflag:s3] =	ssyncset.done $0x0  }
0x1a: {  	[sflag:s3] =	ssyncadd.s32 $0xFFFFFF00  }
0x1b: {  	[tilespmem:s7], [sflag:$0x1] =	stream.indirect.gather [hbm4b:s5+s6], $0x60, s2, s6, $0xb8;
	[tilespmem:$0x6100] =	vst v63  }
0x1c: {  	_ =	swait.ge [sflag:s8], $0x3000  }
0x1d: {  	[sflag:s8] =	ssyncset.done $0x0  }
0x1e: {  	[sflag:s8] =	ssyncadd.s32 $0xFFFFD000  }
0x1f: {  	[tilespmem:s9], [sflag:$0x1] =	stream.indirect.gather [hbm4b:s5+s6], $0x60, s6, s6, $0xb8;
	[tilespmem:$0x6100] =	vst v63  }
0x20: {  	s12 =	smul.u32 $0xC00, s12;
	_ =	swait.ge [sflag:s8], $0x3000  }
0x21: {  	[sflag:s8] =	ssyncset.done $0x0  }
0x22: {  	s12 =	sadd.s32 s18, s12;
	[sflag:s8] =	ssyncadd.s32 $0xFFFFD000  }
0x23: {  	[hbm4b:s12+s2] =	stream.linear.scatter [tilespmem:s7], [sflag:$0x2], $0x6000, $0x38;
	[tilespmem:$0x6100] =	vst v63  }
0x24: {  	s14 =	sor.u32 $0x2, s17;
	_ =	swait.ge [sflag:s3], $0x6000  }
0x25: {  	s13 =	sshll.u32 s14, $0x5;
	[sflag:s3] =	ssyncset.done $0x0  }
0x26: {  	s13 =	sadd.s32 s15, s13;
	[sflag:s3] =	ssyncadd.s32 $0xFFFFA000  }
0x27: {  	[tilespmem:s2], [sflag:$0x2] =	stream.linear.gather [hbm4b:s13+s2], $0x100, $0x38;
	[tilespmem:$0x6100] =	vst v63  }
0x28: {  	_ =	swait.ge [sflag:s3], $0x100  }
0x29: {  	[sflag:s3] =	ssyncset.done $0x0  }
0x2a: {  	[sflag:s3] =	ssyncadd.s32 $0xFFFFFF00  }
0x2b: {  	[tilespmem:s7], [sflag:$0x1] =	stream.indirect.gather [hbm4b:s5+s6], $0x60, s2, s6, $0xb8;
	[tilespmem:$0x6100] =	vst v63  }
0x2c: {  	_ =	swait.ge [sflag:s8], $0x3000  }
0x2d: {  	[sflag:s8] =	ssyncset.done $0x0  }
0x2e: {  	[sflag:s8] =	ssyncadd.s32 $0xFFFFD000  }
0x2f: {  	[tilespmem:s9], [sflag:$0x1] =	stream.indirect.gather [hbm4b:s5+s6], $0x60, s6, s6, $0xb8;
	[tilespmem:$0x6100] =	vst v63  }
0x30: {  	s14 =	smul.u32 $0xC00, s14;
	_ =	swait.ge [sflag:s8], $0x3000  }
0x31: {  	[sflag:s8] =	ssyncset.done $0x0  }
0x32: {  	s14 =	sadd.s32 s18, s14;
	[sflag:s8] =	ssyncadd.s32 $0xFFFFD000  }
0x33: {  	[hbm4b:s14+s2] =	stream.linear.scatter [tilespmem:s7], [sflag:$0x2], $0x6000, $0x38;
	[tilespmem:$0x6100] =	vst v63  }
0x34: {  	s17 =	sor.u32 $0x3, s17;
	_ =	swait.ge [sflag:s3], $0x6000  }
0x35: {  	s19 =	sshll.u32 s17, $0x5;
	[sflag:s3] =	ssyncset.done $0x0  }
0x36: {  	s15 =	sadd.s32 s15, s19;
	[sflag:s3] =	ssyncadd.s32 $0xFFFFA000  }
0x37: {  	[tilespmem:s2], [sflag:$0x2] =	stream.linear.gather [hbm4b:s15+s2], $0x100, $0x38;
	[tilespmem:$0x6100] =	vst v63  }
0x38: {  	_ =	swait.ge [sflag:s3], $0x100  }
0x39: {  	[sflag:s3] =	ssyncset.done $0x0  }
0x3a: {  	s16 =	ssub.s32 $0x2, s16;
	[sflag:s3] =	ssyncadd.s32 $0xFFFFFF00  }
0x3b: {  	[tilespmem:s7], [sflag:$0x1] =	stream.indirect.gather [hbm4b:s5+s6], $0x60, s2, s6, $0xb8;
	[tilespmem:$0x6100] =	vst v63  }
0x3c: {  	s30 =	sshrl.u32 s16, $0x1;
	_ =	swait.ge [sflag:s8], $0x3000  }
0x3d: {  	s19 =	ssub.s32 s16, s30;
	[sflag:s8] =	ssyncset.done $0x0  }
0x3e: {  	s31 =	smax.u32 s19, $0x1;
	[sflag:s8] =	ssyncadd.s32 $0xFFFFD000  }
0x3f: {  	[tilespmem:s9], [sflag:$0x1] =	stream.indirect.gather [hbm4b:s5+s6], $0x60, s6, s6, $0xb8;
	[tilespmem:$0x6100] =	vst v63  }
0x40: {  	s17 =	smul.u32 $0xC00, s17;
	p0 =	sne.s32 s31, $0x1;
	_ =	swait.ge [sflag:s8], $0x3000  }
.Ltmp0:
0x41: {  	[sflag:s8] =	ssyncset.done $0x0;
	(pc) =	sbr.rel @!p0 .LBB2_2-.Ltmp0, $4  }
0x42: {  	s16 =	sadd.s32 s18, s17;
	[sflag:s8] =	ssyncadd.s32 $0xFFFFD000  }
0x43: {  	[hbm4b:s16+s2] =	stream.linear.scatter [tilespmem:s7], [sflag:$0x2], $0x6000, $0x38;
	[tilespmem:$0x6100] =	vst v63  }
0x44: {  	_ =	swait.ge [sflag:s3], $0x6000  }
0x45: {  	s17 =	sadd.s32 $0xFFFFFFFF, s31;
	[sflag:s3] =	ssyncset.done $0x0  }
.LBB2_1:
0x46: {  	p0 =	sne.s32 s17, $0x1;
	s17 =	sadd.s32 $0xFFFFFFFF, s17;
	[sflag:s3] =	ssyncadd.s32 $0xFFFFA000  }
0x47: {  	[tilespmem:s2], [sflag:$0x2] =	stream.linear.gather [hbm4b:s4+s2], $0x100, $0x38;
	[tilespmem:$0x6100] =	vst v63  }
0x48: {  	_ =	swait.ge [sflag:s3], $0x100  }
0x49: {  	[sflag:s3] =	ssyncset.done $0x0  }
0x4a: {  	[sflag:s3] =	ssyncadd.s32 $0xFFFFFF00  }
0x4b: {  	[tilespmem:s7], [sflag:$0x1] =	stream.indirect.gather [hbm4b:s5+s6], $0x60, s2, s6, $0xb8;
	[tilespmem:$0x6100] =	vst v63  }
0x4c: {  	_ =	swait.ge [sflag:s8], $0x3000  }
0x4d: {  	[sflag:s8] =	ssyncset.done $0x0  }
0x4e: {  	[sflag:s8] =	ssyncadd.s32 $0xFFFFD000  }
0x4f: {  	[tilespmem:s9], [sflag:$0x1] =	stream.indirect.gather [hbm4b:s5+s6], $0x60, s6, s6, $0xb8;
	[tilespmem:$0x6100] =	vst v63  }
0x50: {  	_ =	swait.ge [sflag:s8], $0x3000  }
0x51: {  	[sflag:s8] =	ssyncset.done $0x0  }
0x52: {  	[sflag:s8] =	ssyncadd.s32 $0xFFFFD000  }
0x53: {  	[hbm4b:s10+s2] =	stream.linear.scatter [tilespmem:s7], [sflag:$0x2], $0x6000, $0x38;
	[tilespmem:$0x6100] =	vst v63  }
0x54: {  	_ =	swait.ge [sflag:s3], $0x6000  }
0x55: {  	[sflag:s3] =	ssyncset.done $0x0  }
0x56: {  	[sflag:s3] =	ssyncadd.s32 $0xFFFFA000  }
0x57: {  	[tilespmem:s2], [sflag:$0x2] =	stream.linear.gather [hbm4b:s11+s2], $0x100, $0x38;
	[tilespmem:$0x6100] =	vst v63  }
0x58: {  	_ =	swait.ge [sflag:s3], $0x100  }
0x59: {  	[sflag:s3] =	ssyncset.done $0x0  }
0x5a: {  	[sflag:s3] =	ssyncadd.s32 $0xFFFFFF00  }
0x5b: {  	[tilespmem:s7], [sflag:$0x1] =	stream.indirect.gather [hbm4b:s5+s6], $0x60, s2, s6, $0xb8;
	[tilespmem:$0x6100] =	vst v63  }
0x5c: {  	_ =	swait.ge [sflag:s8], $0x3000  }
0x5d: {  	[sflag:s8] =	ssyncset.done $0x0  }
0x5e: {  	[sflag:s8] =	ssyncadd.s32 $0xFFFFD000  }
0x5f: {  	[tilespmem:s9], [sflag:$0x1] =	stream.indirect.gather [hbm4b:s5+s6], $0x60, s6, s6, $0xb8;
	[tilespmem:$0x6100] =	vst v63  }
0x60: {  	_ =	swait.ge [sflag:s8], $0x3000  }
0x61: {  	[sflag:s8] =	ssyncset.done $0x0  }
0x62: {  	[sflag:s8] =	ssyncadd.s32 $0xFFFFD000  }
0x63: {  	[hbm4b:s12+s2] =	stream.linear.scatter [tilespmem:s7], [sflag:$0x2], $0x6000, $0x38;
	[tilespmem:$0x6100] =	vst v63  }
0x64: {  	_ =	swait.ge [sflag:s3], $0x6000  }
0x65: {  	[sflag:s3] =	ssyncset.done $0x0  }
0x66: {  	[sflag:s3] =	ssyncadd.s32 $0xFFFFA000  }
0x67: {  	[tilespmem:s2], [sflag:$0x2] =	stream.linear.gather [hbm4b:s13+s2], $0x100, $0x38;
	[tilespmem:$0x6100] =	vst v63  }
0x68: {  	_ =	swait.ge [sflag:s3], $0x100  }
0x69: {  	[sflag:s3] =	ssyncset.done $0x0  }
0x6a: {  	[sflag:s3] =	ssyncadd.s32 $0xFFFFFF00  }
0x6b: {  	[tilespmem:s7], [sflag:$0x1] =	stream.indirect.gather [hbm4b:s5+s6], $0x60, s2, s6, $0xb8;
	[tilespmem:$0x6100] =	vst v63  }
0x6c: {  	_ =	swait.ge [sflag:s8], $0x3000  }
0x6d: {  	[sflag:s8] =	ssyncset.done $0x0  }
0x6e: {  	[sflag:s8] =	ssyncadd.s32 $0xFFFFD000  }
0x6f: {  	[tilespmem:s9], [sflag:$0x1] =	stream.indirect.gather [hbm4b:s5+s6], $0x60, s6, s6, $0xb8;
	[tilespmem:$0x6100] =	vst v63  }
0x70: {  	_ =	swait.ge [sflag:s8], $0x3000  }
0x71: {  	[sflag:s8] =	ssyncset.done $0x0  }
0x72: {  	[sflag:s8] =	ssyncadd.s32 $0xFFFFD000  }
0x73: {  	[hbm4b:s14+s2] =	stream.linear.scatter [tilespmem:s7], [sflag:$0x2], $0x6000, $0x38;
	[tilespmem:$0x6100] =	vst v63  }
0x74: {  	_ =	swait.ge [sflag:s3], $0x6000  }
0x75: {  	[sflag:s3] =	ssyncset.done $0x0  }
0x76: {  	[sflag:s3] =	ssyncadd.s32 $0xFFFFA000  }
0x77: {  	[tilespmem:s2], [sflag:$0x2] =	stream.linear.gather [hbm4b:s15+s2], $0x100, $0x38;
	[tilespmem:$0x6100] =	vst v63  }
0x78: {  	_ =	swait.ge [sflag:s3], $0x100  }
0x79: {  	[sflag:s3] =	ssyncset.done $0x0  }
0x7a: {  	[sflag:s3] =	ssyncadd.s32 $0xFFFFFF00  }
0x7b: {  	[tilespmem:s7], [sflag:$0x1] =	stream.indirect.gather [hbm4b:s5+s6], $0x60, s2, s6, $0xb8;
	[tilespmem:$0x6100] =	vst v63  }
0x7c: {  	_ =	swait.ge [sflag:s8], $0x3000  }
0x7d: {  	[sflag:s8] =	ssyncset.done $0x0  }
0x7e: {  	[sflag:s8] =	ssyncadd.s32 $0xFFFFD000  }
0x7f: {  	[tilespmem:s9], [sflag:$0x1] =	stream.indirect.gather [hbm4b:s5+s6], $0x60, s6, s6, $0xb8;
	[tilespmem:$0x6100] =	vst v63  }
0x80: {  	_ =	swait.ge [sflag:s8], $0x3000  }
.Ltmp1:
0x81: {  	[sflag:s8] =	ssyncset.done $0x0;
	(pc) =	sbr.rel @p0 .LBB2_1-.Ltmp1, $4  }
0x82: {  	[sflag:s8] =	ssyncadd.s32 $0xFFFFD000  }
0x83: {  	[hbm4b:s16+s2] =	stream.linear.scatter [tilespmem:s7], [sflag:$0x2], $0x6000, $0x38;
	[tilespmem:$0x6100] =	vst v63  }
0x84: {  	_ =	swait.ge [sflag:s3], $0x6000  }
0x85: {  	[sflag:s3] =	ssyncset.done $0x0  }
.LBB2_2:
0x86: {  	[sflag:s3] =	ssyncadd.s32 $0xFFFFA000  }
0x87: {  	_ =	sfence.sel $0x180000  }
0x88: {  	[bflag:$0x0] =	sbarrier.arrive $0xFFFF  }
0x89: {  	p0 =	sne.s32 s0, $0x0;
	_ =	strace $0x90000047  }
0x8a: {  	s0 =	sadd.s32 @!p0 $0x100000, s1;
	[bflag:$0x2] =	sbarrier.arrive $0xFFFF  }
0x8b: {  	[sflag:s0] =	ssyncadd.tile.s32 @!p0 $0x1;
	_ =	shalt  }
.Lfunc_end2:
_tile_overlayer_lowered:
.L_overlay_start_2:
0x8c: {  	(tag) =	ssettag $0x2  }
0x8d: {  	s0 =	rddreg [dreg:$0x0];
	s2 =	stileid.u32  }
0x8e: {  	s1 =	rddreg [dreg:$0x1];
	p0 =	sne.s32 s2, $0x0  }
0x8f: {  	s3 =	rddreg [dreg:$0x2];
	[bflag:$0x3] =	sbarrier.arrive $0xFFFF;
	s2 =	simm.s32 @!p0 $0x1C02  }
0x90: {  	[timem:s3], [sflag:s2] =	dma.local @!p0 [hbm:s0], s1  }
0x91: {  	s0 =	simm.s32 @!p0 $0x2  }
0x92: {  	_ =	swait.ge @!p0 [sflag:s0], s1  }
0x93: {  	s1 =	ssub.s32 @!p0 $0x0, s1;
	[sflag:s0] =	ssyncset.done @!p0 $0x0  }
0x94: {  	[sflag:s0] =	ssyncadd.s32 @!p0 s1  }
0x95: {  	[bflag:$0x3] =	sbarrier.arrive $0xFFFF  }
0x96: {  	_ =	shalt  }

// kernel: sparse-core-data-format-call.cloned.1.call-start
scs
called_computation_lowered:
.L_overlay_start_0:
0x0: {  	s2 =	sld [smem:$0x3FD9]  }
0x1: {  	s3 =	sld [smem:$0x3FFE];
	_ =	sdelay $0x1  }
0x2: {  	s1 =	srdreg.scid  }
0x3: {  	s0 =	sand.u32 $0x1, s1  }
0x4: {  	s18 =	sshll.u32 s0, $0xA;
	s2 =	sadd.s32 s3, s2  }
0x5: {  	s2 =	sadd.s32 s2, s18  }
0x6: {  	[smem:$0x3FC7] =	sst s2  }
0x7: {  	_ = 	snop  }
0x8: {  	s2 =	sld [smem:$0x3FD0];
	(tm) =	ssettm $0x1  }
0x9: {  	s19 =	sld [smem:$0x3FFB];
	_ =	sdelay $0x3  }
0xa: {  	_ =	strace s19  }
0xb: {  	s3 =	sld [smem:$0x3FFC];
	_ =	sdelay $0x3  }
0xc: {  	_ =	strace s3  }
0xd: {  	s3 =	sld [smem:$0x3FFD];
	_ =	sdelay $0x3  }
0xe: {  	_ =	strace s3  }
0xf: {  	_ =	strace $0x8FFFFFFF  }
0x10: {  	s20 =	sld [smem:$0x3FDB];
	_ =	sdelay $0x1  }
0x11: {  	s4 =	simm.s32 $_scs_section_size  }
0x12: {  	s5 =	simm.s32 $_size__tile_overlayer_lowered;
	s6 =	simm.s32 $_tile_overlayer_lowered  }
0x13: {  	s23 =	simm.s32 $0x1BFF;
	s22 =	sshll.u32 s6, $0x1;
	s3 =	sadd.s32 s4, s20  }
0x14: {  	s7 =	simm.s32 $0x0;
	s21 =	sshll.u32 s5, $0x1;
	s5 =	sadd.s32 s22, s3  }
0x15: {  	[timem:s7], [sflag:s23] =	dma.local [hbm:s5], s21  }
0x16: {  	_ =	swait.ge [sflag:s23], s21  }
0x17: {  	s4 =	ssub.s32 $0x0, s21;
	[sflag:s23] =	ssyncset.done $0x0  }
0x18: {  	[sflag:s23] =	ssyncadd.s32 s4;
	_ =	sdelay $0x1  }
0x19: {  	s24 =	simm.s32 $0x1B8B  }
0x1a: {  	_ =	swait.ge [sflag:s24], $0x1  }
0x1b: {  	[sflag:s24] =	ssyncset.done $0x0  }
0x1c: {  	s26 =	simm.s32 $0x1B8E;
	s25 =	sld [smem:$0x3FFE];
	[sflag:s24] =	ssyncadd.s32 $0xFFFFFFFF  }
0x1d: {  	s27 =	simm.s32 $execute0_lowered;
	[smem:$0x3FD2] =	sst s26  }
0x1e: {  	s5 =	sshll.u32 s27, $0x1;
	_ =	strace $0x80000049;
	[dreg:$0x1] =	wrdreg $0xFFFFFFFF  }
0x1f: {  	s28 =	simm.s32 $_size_execute0_lowered;
	s3 =	sadd.s32 s3, s5;
	[dreg:$0x0] =	wrdreg $0x0  }
0x20: {  	s5 =	sshll.u32 s28, $0x1;
	[dreg:$0x2] =	wrdreg s3  }
0x21: {  	[dreg:$0x3] =	wrdreg s5  }
0x22: {  	[dreg:$0x4] =	wrdreg $0xC0  }
0x23: {  	_ =	task [dreg:s7], $0x5FFFF  }
0x24: {  	[dreg:$0x1] =	wrdreg $0xFFFFFFFF  }
0x25: {  	[dreg:$0x0] =	wrdreg $0x60  }
0x26: {  	[dreg:$0x2] =	wrdreg s25  }
0x27: {  	[dreg:$0x3] =	wrdreg s2  }
0x28: {  	[dreg:$0x4] =	wrdreg $0x9  }
0x29: {  	_ =	task.clear_ibuf [dreg:s7], $0x5FFFF;
	_ =	strace $0x90000049  }
0x2a: {  	s29 =	simm.s32 $0x9;
	_ =	strace $0x8000004B  }
0x2b: {  	_ =	swait.ge [sflag:s29], $0x1  }
0x2c: {  	[sflag:s29] =	ssyncadd.s32 $0xFFFFFFFF  }
0x2d: {  	_ =	strace $0x9000004B  }
0x2e: {  	_ =	sfence  }
0x2f: {  	s30 =	sld [smem:$0x0];
	_ =	sdelay $0x2  }
0x30: {  	s31 =	sshll.u32 s1, $0xD;
	s1 =	sshrl.u32 s1, $0x2  }
0x31: {  	s3 =	sand.u32 $0x4000, s31;
	s1 =	sadd.s32 s1, s30  }
0x32: {  	s0 =	sor.u32 s3, s0;
	s1 =	sshll.u32 s1, $0x11  }
0x33: {  	s0 =	sor.u32 s1, s0  }
0x34: {  	s0 =	sadd.s32 $0x8F2B, s0  }
0x35: {  	[sflag:s0] =	ssyncadd.remote.s32 $0x1  }
0x36: {  	_ =	sfence.sel $0xFFFF  }
0x37: {  	[dreg:$0x0] =	wrdreg $0xFFFFFFFF;
	(pc) =	sbr.abs _section_cstart, $3  }
0x38: {  	[dreg:$0x1] =	wrdreg $0xFFFFFFFF  }
0x39: {  	_ =	task.clear_ibuf [dreg:s7], $0x2FFFF;
	_ =	strace $0x9FFFFFFF  }
0x3a: {  	(tm) =	ssettm $0x7FFFFFFF  }
0x3b: {  	_ =	shalt  }
tec
execute0_lowered:
.L_overlay_start_1:
0x0: {  	(tag) =	ssettag $0x1  }
0x1: {  	s4 =	rddreg [dreg:$0x0];
	s0 =	srdreg.scid  }
0x2: {  	s2 =	rddreg [dreg:$0x1];
	s1 =	stileid.u32;
	s5 =	simm.s32 $0x1  }
0x3: {  	s7 =	simm.s32 $0x2;
	s14 =	simm.s32 $0x0;
	p0 =	por $0x0, $0x0  }
0x4: {  	s13 =	simm.s32 $0x0;
	s8 =	simm.s32 $0x0;
	s3 =	sshll.u32 s0, $0x4  }
.Ltmp0:
0x5: {  	s9 =	simm.s32 $0x0;
	s3 =	sand.u32 $0x10, s3;
	(pc) =	sbr.rel .LBB1_1-.Ltmp0, $4  }
0x6: {  	s11 =	simm.s32 $0x0;
	s12 =	simm.s32 $0x0;
	s3 =	sor.u32 s1, s3  }
0x7: {  	s0 =	rddreg [dreg:$0x2];
	_ =	strace $0x8000004A;
	s6 =	ssub.s32 $0x2ED, s3  }
0x8: {  	s4 =	sadd.s32 $0x1400, s4;
	[sflag:s5] =	ssyncpa.u1 $0x0;
	s6 =	sshrl.u32 s6, $0x5  }
0x9: {  	[sflag:s7] =	ssyncpa.u1 $0x0;
	s10 =	smov.u32 s3;
	s7 =	sadd.s32 $0x1, s6  }
.LBB1_4:
0xa: {  	v5 =	vld [tilespmem:s17+$0xFFFFFFD0];
	[tilespmem:s18+$0x2040 ss:$0x81] =	vst.msk $0xffff, v4;
	p1 =	sgt.s32 s8, $0x2CD;
	s20 =	smov.u32 s8  }
0xb: {  	s21 =	sshra.s32 s8, $0x1F;
	v58 =	vld [tilespmem:s17+$0xFFFFFFE0];
	[tilespmem:s18+$0x2850 ss:$0x81] =	vst.msk $0xffff, v3;
	s22 =	sshrl.u32 s9, $0x4;
	s19 =	sshra.s32 s19, $0x2  }
0xc: {  	v59 =	vld [tilespmem:s17+$0xFFFFFFF0];
	[tilespmem:s18+$0x3060 ss:$0x81] =	vst.msk $0xffff, v2;
	s27 =	smul.u32 $0x600, s8;
	s20 =	simm.s32 @!p1 $0x2CD;
	s21 =	sand.u32 s21, s8  }
0xd: {  	v60 =	vld [tilespmem:s17+$0x0];
	[tilespmem:s18+$0x0 ss:$0x81] =	vst.msk $0xffff, v0;
	s31 =	sand.u32 $0x1FFFFF8, s22;
	s16 =	sadd.s32 s19, s16;
	s20 =	ssub.s32 s20, s21  }
0xe: {  	v61 =	vld [tilespmem:s17+$0x10];
	s24 =	ssub.s32 $0x0, s9;
	s22 =	smulhi.u32 $0x2AAAAAB, s31;
	[tilespmem:s16+$0x3870 ss:$0x81] =	vst.msk $0xffff, v1;
	s23 =	ssub.s32 $0x2CE, s20  }
0xf: {  	v62 =	vld [tilespmem:s17+$0x20];
	s26 =	smin.u32 s9, s24;
	s20 =	sadd.s32 $0xFFFFFD33, s20;
	s19 =	smul.u32 $0x60, s23;
	[tilespmem:s16+$0x810 ss:$0x81] =	vst.msk $0xffff, v5  }
0x10: {  	v63 =	vld [tilespmem:s17+$0xFFFFFFC0];
	s28 =	sshrl.u32 s9, $0x3;
	s18 =	ssub.s32 $0x80, s26;
	p1 =	sgt.s32 s20, $0x0;
	[tilespmem:s16+$0x1020 ss:$0x81] =	vst.msk $0xffff, v58  }
0x11: {  	s25 =	smul.u32 $0x60, s22;
	[tilespmem:s16+$0x1830 ss:$0x81] =	vst.msk $0xffff, v59;
	s19 =	simm.s32 @p1 $0x0;
	p1 =	sgt.s32 s26, $0x7F  }
0x12: {  	s29 =	sand.u32 $0xF, s28;
	[tilespmem:s16+$0x2040 ss:$0x81] =	vst.msk $0xffff, v60;
	s18 =	simm.s32 @p1 $0x0  }
0x13: {  	s20 =	sadd.s32 s2, s27;
	[tilespmem:s16+$0x2850 ss:$0x81] =	vst.msk $0xffff, v61;
	s17 =	ssub.s32 s31, s25;
	s18 =	smul.u32 s18, s19  }
0x14: {  	[tilespmem:s16+$0x3060 ss:$0x81] =	vst.msk $0xffff, v62;
	s17 =	sshll.u32 s17, $0x4;
	s19 =	sadd.s32 s29, s20  }
0x15: {  	[tilespmem:s16+$0x0 ss:$0x81] =	vst.msk $0xffff, v63;
	s31 =	sand.u32 $0x7, s9;
	s17 =	sadd.s32 s17, s19;
	s30 =	sand.u32 $0x3FFFFFE0, s18  }
0x16: {  	[hbm4b:s17+s31] =	stream.linear.scatter [tilespmem:s15], [sflag:$0x2], s30, $0x20;
	[tilespmem:$0x10100] =	vst v63  }
.LBB1_5:
0x17: {  	p1 =	slt.u32 s12, $0x2  }
0x18: {  	p2 =	sgt.s32 @!p1 s14, $0x2CD  }
0x19: {  	s15 =	smov.u32 s14;
	s16 =	sshra.s32 @!p1 s14, $0x1F;
	p2 =	por !p2, p1  }
0x1a: {  	s14 =	sand.u32 @!p1 s16, s14;
	s15 =	simm.s32 @p2 $0x2CD  }
0x1b: {  	s17 =	smov.u32 s11;
	s14 =	ssub.s32 @!p1 s15, s14;
	s15 =	ssub.s32 @!p1 $0x0, s13  }
0x1c: {  	s16 =	sadd.s32 @!p1 $0xFFFFFD33, s14;
	s14 =	ssub.s32 @!p1 $0x2CE, s14;
	s13 =	smin.u32 @!p1 s13, s15  }
0x1d: {  	p2 =	sgt.s32 @!p1 s16, $0x0;
	s14 =	smul.u32 @!p1 $0x60, s14;
	p3 =	sgt.s32 @!p1 s13, $0x7F  }
0x1e: {  	s13 =	ssub.s32 @!p1 $0x80, s13;
	p2 =	por !p2, p1;
	p3 =	por !p3, p1  }
0x1f: {  	s15 =	sadd.s32 $0x20, s10;
	s14 =	simm.s32 @!p2 $0x0;
	s13 =	simm.s32 @!p3 $0x0  }
0x20: {  	p2 =	sgt.s32 s15, $0x2CD;
	s13 =	smul.u32 @!p1 s13, s14;
	s14 =	sadd.s32 $0x80, s11  }
0x21: {  	s17 =	smov.u32 @p2 s14  }
0x22: {  	s15 =	smov.u32 @p2 s3;
	p2 =	sgt.s32 s17, $0x7F  }
0x23: {  	s17 =	simm.s32 @p2 $0x0;
	p2 =	sne.s32 s12, s7  }
.Ltmp1:
0x24: {  	p0 =	por !p0, !p0;
	s16 =	simm.s32 @!p1 $0x2;
	(pc) =	sbr.rel @!p2 .LBB1_6-.Ltmp1, $4  }
0x25: {  	s14 =	smov.u32 s8;
	s8 =	smov.u32 s10;
	s13 =	sand.u32 @!p1 $0x3FFFFFE0, s13  }
0x26: {  	s10 =	smov.u32 s15;
	_ =	swait.ge @!p1 [sflag:s16], s13;
	s18 =	ssub.s32 @!p1 $0x0, s13  }
0x27: {  	s13 =	smov.u32 s9;
	s12 =	sadd.s32 $0x1, s12;
	[sflag:s16] =	ssyncset.done @!p1 $0x0  }
0x28: {  	s9 =	smov.u32 s11;
	s11 =	smov.u32 s17;
	[sflag:s16] =	ssyncadd.s32 @!p1 s18  }
.LBB1_1:
0x29: {  	p1 =	sge.u32 s12, s6  }
0x2a: {  	s15 =	sand.u32 @!p1 $0x1FFFFFF, s10  }
0x2b: {  	s16 =	smulhi.u32 @!p1 $0xB60B61, s15;
	_ =	sdelay $0x1  }
0x2c: {  	s16 =	sshrl.u32 @!p1 s16, $0x1  }
0x2d: {  	s16 =	smul.u32 @!p1 $0x2D0, s16  }
0x2e: {  	s17 =	sxor.u32 @!p1 $0xFFFFFFFF, s12;
	s18 =	smul.u32 @!p1 $0x2D00, s11  }
0x2f: {  	s31 =	sadd.s32 $0xFFFFFFFF, s12;
	s17 =	sshll.u32 @!p1 s17, $0xE;
	s15 =	ssub.s32 @!p1 s15, s16  }
0x30: {  	s16 =	sand.u32 @!p1 $0x4000, s17;
	s17 =	sadd.s32 @!p1 s4, s18;
	s15 =	sshll.u32 @!p1 s15, $0x4  }
0x31: {  	s18 =	simm.s32 @!p1 $0x16800;
	s15 =	sadd.s32 @!p1 s15, s17;
	s17 =	simm.s32 @!p1 $0x80  }
0x32: {  	[tilespmem:s16], [sflag:$0x1] =	stream.strided.gather @!p1 [hbm4b:s15+s17], $0x4000, s18, s17, $0x38;
	[tilespmem:$0x10100] =	vst v63  }
0x33: {  	p1 =	sge.u32 s31, s6  }
.Ltmp2:
0x34: {  	_ = 	snop;
	(pc) =	sbr.rel @p1 .LBB1_5-.Ltmp2, $1  }
0x35: {  	_ =	sdelay $0x3  }
0x36: {  	s15 =	simm.s32 $0x1  }
0x37: {  	_ =	swait.ge [sflag:s5], $0x4000;
	s15 =	simm.s32 @!p0 $0x0  }
0x38: {  	[sflag:s5] =	ssyncset.done $0x0;
	s16 =	sshll.u32 s15, $0xE  }
0x39: {  	[sflag:s5] =	ssyncadd.s32 $0xFFFFC000;
	s17 =	sor.u32 $0x40, s16  }
0x3a: {  	s15 =	smul.u32 $0x10200, s15;
	v0 =	vld [tilespmem:s17+$0x30]  }
0x3b: {  	v1 =	vld [tilespmem:s17+$0xFFFFFFD0]  }
0x3c: {  	s15 =	sshrl.u32 s15, $0x2;
	v5 =	vld [tilespmem:s17+$0xFFFFFFE0]  }
0x3d: {  	v6 =	vld [tilespmem:s17+$0xFFFFFFF0];
	s16 =	sor.u32 $0x8000, s15  }
0x3e: {  	s31 =	sand.u32 $0x1, s12;
	v4 =	vld [tilespmem:s17+$0x0];
	s18 =	sadd.s32 $0x0, s16  }
0x3f: {  	v3 =	vld [tilespmem:s17+$0x10];
	s15 =	smul.u32 $0x10200, s31;
	[tilespmem:s18+$0x3870 ss:$0x81] =	vst.msk $0xffff, v0  }
0x40: {  	v2 =	vld [tilespmem:s17+$0x20];
	[tilespmem:s18+$0x810 ss:$0x81] =	vst.msk $0xffff, v1  }
0x41: {  	s15 =	sshrl.u32 s15, $0x2;
	v0 =	vld [tilespmem:s17+$0xFFFFFFC0];
	[tilespmem:s18+$0x1020 ss:$0x81] =	vst.msk $0xffff, v5;
	s17 =	sadd.s32 $0x80, s17  }
0x42: {  	s19 =	simm.s32 $0x4;
	s20 =	simm.s32 $0x8;
	s15 =	sor.u32 $0x8000, s15;
	[tilespmem:s18+$0x1830 ss:$0x81] =	vst.msk $0xffff, v6;
	v1 =	vld [tilespmem:s17+$0x30]  }
.LBB1_3:
0x43: {  	p1 =	sne.s32 s20, $0x1FC;
	v5 =	vld [tilespmem:s17+$0xFFFFFFD0];
	[tilespmem:s18+$0x2040 ss:$0x81] =	vst.msk $0xffff, v4  }
0x44: {  	v6 =	vld [tilespmem:s17+$0xFFFFFFE0];
	[tilespmem:s18+$0x2850 ss:$0x81] =	vst.msk $0xffff, v3  }
0x45: {  	s21 =	sshra.s32 s19, $0x2;
	s19 =	smov.u32 s20;
	v7 =	vld [tilespmem:s17+$0xFFFFFFF0];
	[tilespmem:s18+$0x3060 ss:$0x81] =	vst.msk $0xffff, v2  }
.Ltmp3:
0x46: {  	v4 =	vld [tilespmem:s17+$0x0];
	[tilespmem:s18+$0x0 ss:$0x81] =	vst.msk $0xffff, v0;
	s18 =	sadd.s32 s21, s16;
	(pc) =	sbr.rel @p1 .LBB1_3-.Ltmp3, $4  }
0x47: {  	v3 =	vld [tilespmem:s17+$0x10];
	[tilespmem:s18+$0x3870 ss:$0x81] =	vst.msk $0xffff, v1  }
0x48: {  	[tilespmem:s18+$0x810 ss:$0x81] =	vst.msk $0xffff, v5;
	v2 =	vld [tilespmem:s17+$0x20]  }
0x49: {  	v0 =	vld [tilespmem:s17+$0xFFFFFFC0];
	[tilespmem:s18+$0x1020 ss:$0x81] =	vst.msk $0xffff, v6;
	s17 =	sadd.s32 $0x80, s17  }
0x4a: {  	s20 =	sadd.s32 $0x4, s20;
	v1 =	vld [tilespmem:s17+$0x30];
	[tilespmem:s18+$0x1830 ss:$0x81] =	vst.msk $0xffff, v7  }
.Ltmp4:
0x4b: {  	_ = 	snop;
	(pc) =	sbr.rel .LBB1_4-.Ltmp4, $1  }
0x4c: {  	_ =	sdelay $0x3  }
.LBB1_6:
0x4d: {  	_ =	sfence.sel $0x180000  }
0x4e: {  	s2 =	simm.s32 $0x1;
	[bflag:$0x0] =	sbarrier.arrive $0xFFFF  }
0x4f: {  	s31 =	simm.s32 $0x2;
	[sflag:s2] =	ssyncpa.u1 $0x1  }
0x50: {  	[sflag:s31] =	ssyncpa.u1 $0x1  }
0x51: {  	p0 =	sne.s32 s1, $0x0;
	_ =	strace $0x9000004A  }
0x52: {  	s0 =	sadd.s32 @!p0 $0x100000, s0;
	[bflag:$0x2] =	sbarrier.arrive $0xFFFF  }
0x53: {  	[sflag:s0] =	ssyncadd.tile.s32 @!p0 $0x1;
	_ =	shalt  }
.Lfunc_end1:
_tile_overlayer_lowered:
.L_overlay_start_2:
0x54: {  	(tag) =	ssettag $0x2  }
0x55: {  	s0 =	rddreg [dreg:$0x0];
	s2 =	stileid.u32  }
0x56: {  	s1 =	rddreg [dreg:$0x1];
	p0 =	sne.s32 s2, $0x0  }
0x57: {  	s3 =	rddreg [dreg:$0x2];
	[bflag:$0x3] =	sbarrier.arrive $0xFFFF;
	s2 =	simm.s32 @!p0 $0x1C01  }
0x58: {  	[timem:s3], [sflag:s2] =	dma.local @!p0 [hbm:s0], s1  }
0x59: {  	s0 =	simm.s32 @!p0 $0x1  }
0x5a: {  	_ =	swait.ge @!p0 [sflag:s0], s1  }
0x5b: {  	s1 =	ssub.s32 @!p0 $0x0, s1;
	[sflag:s0] =	ssyncset.done @!p0 $0x0  }
0x5c: {  	[sflag:s0] =	ssyncadd.s32 @!p0 s1  }
0x5d: {  	[bflag:$0x3] =	sbarrier.arrive $0xFFFF  }
0x5e: {  	_ =	shalt  }

</sc_bundles>
